<compile_context>
chip_gen: v7x
topology: tpu7x:2x2x1
jax: 0.10.2.dev20260603
libtpu: 0.0.44.dev20260713+nightly
codegen_flags: <defaults>
</compile_context>

<pallas_src>
import functools

import jax
import jax.numpy as jnp
from jax import lax
from jax.experimental import pallas as pl
from jax.experimental.pallas import tpu as pltpu
from jax.experimental.pallas import tpu_sc as plsc

N = 10000
E = 320000
FD = 128
LD = 16
HD = 128
OD = 40

NC, NS = 2, 16
NW = NC * NS

DCH = 128
DNCH = 80
EPW = DCH * DNCH
EPAD = EPW * NW
RPS = 632
NPAD = RPS * NS

CH = 32
NCH = EPAD // NS // CH
NHALF = N // 2
ARPS = 320
APAD = ARPS * NS
HPS = 632

_mesh = plsc.VectorSubcoreMesh(core_axis_name="c", subcore_axis_name="s",
                               num_cores=NC, num_subcores=NS)


@functools.partial(
    pl.kernel,
    out_type=jax.ShapeDtypeStruct((NC * NPAD,), jnp.float32),
    mesh=_mesh,
    scratch_types=[
        pltpu.VMEM((DNCH, DCH), jnp.int32),
        pltpu.VMEM((DCH,), jnp.float32),
        pltpu.VMEM((RPS,), jnp.float32),
        pltpu.VMEM_SHARED((NPAD,), jnp.float32),
    ],
)
def _deg_kernel(dst_hbm, zeros1_hbm, ones_hbm, out_hbm, idx_v, ones_v,
                stage_v, deg_sh):
    cid = lax.axis_index("c")
    sid = lax.axis_index("s")
    wid = sid * NC + cid
    r0 = sid * RPS
    pltpu.sync_copy(zeros1_hbm, stage_v)
    pltpu.sync_copy(stage_v, deg_sh.at[pl.ds(r0, RPS)])
    pltpu.sync_copy(ones_hbm, ones_v)
    pltpu.sync_copy(dst_hbm.at[wid], idx_v)
    plsc.subcore_barrier()

    def body(j, carry):
        pltpu.sync_copy(ones_v, deg_sh.at[idx_v.at[j]], add=True)
        return carry

    lax.fori_loop(0, DNCH, body, 0)
    plsc.subcore_barrier()
    pltpu.sync_copy(deg_sh.at[pl.ds(r0, RPS)], stage_v)
    pltpu.sync_copy(stage_v, out_hbm.at[pl.ds(cid * NPAD + r0, RPS)])


@functools.partial(
    pl.kernel,
    out_type=jax.ShapeDtypeStruct((NC, APAD, HD), jnp.float32),
    mesh=_mesh,
    scratch_types=[
        pltpu.VMEM((1, CH), jnp.int32),
        pltpu.VMEM((1, CH), jnp.int32),
        pltpu.VMEM((1, CH), jnp.int32),
        pltpu.VMEM((1, CH), jnp.int32),
        pltpu.VMEM((CH, HD), jnp.float32),
        pltpu.VMEM((CH, HD), jnp.float32),
        pltpu.VMEM_SHARED((NPAD, HD), jnp.float32),
        pltpu.VMEM_SHARED((APAD, HD), jnp.float32),
        pltpu.SemaphoreType.DMA,
        pltpu.SemaphoreType.DMA,
        pltpu.SemaphoreType.DMA,
        pltpu.SemaphoreType.DMA,
        pltpu.SemaphoreType.DMA,
        pltpu.SemaphoreType.DMA,
    ],
)
def _agg_kernel(hp_hbm, src_hbm, dst_hbm, zeros2_hbm, out_hbm,
                srcc0, srcc1, dstc0, dstc1, rows0, rows1, hp_sh, agg_sh,
                si0, si1, di0, di1, sg0, sg1):
    cid = lax.axis_index("c")
    sid = lax.axis_index("s")
    r0 = sid * ARPS
    t0 = sid * HPS
    pltpu.sync_copy(hp_hbm.at[pl.ds(t0, HPS)], hp_sh.at[pl.ds(t0, HPS)])
    pltpu.sync_copy(zeros2_hbm, agg_sh.at[pl.ds(r0, DCH)])
    pltpu.sync_copy(zeros2_hbm, agg_sh.at[pl.ds(r0 + DCH, DCH)])
    pltpu.sync_copy(zeros2_hbm.at[pl.ds(0, ARPS - 2 * DCH)],
                    agg_sh.at[pl.ds(r0 + 2 * DCH, ARPS - 2 * DCH)])
    plsc.subcore_barrier()

    pltpu.async_copy(src_hbm.at[sid, 0], srcc0.at[0], si0)
    pltpu.async_copy(dst_hbm.at[cid, sid, 0], dstc0.at[0], di0)
    pltpu.async_copy(src_hbm.at[sid, 1], srcc1.at[0], si1)
    pltpu.async_copy(dst_hbm.at[cid, sid, 1], dstc1.at[0], di1)

    def body(t, carry):
        j = 2 * t
        pltpu.make_async_copy(src_hbm.at[sid, j], srcc0.at[0], si0).wait()
        pltpu.async_copy(hp_sh.at[srcc0.at[0]], rows0, sg0)
        pltpu.make_async_copy(src_hbm.at[sid, j + 1], srcc1.at[0], si1).wait()
        pltpu.async_copy(hp_sh.at[srcc1.at[0]], rows1, sg1)

        pltpu.make_async_copy(hp_sh.at[srcc0.at[0]], rows0, sg0).wait()
        pltpu.make_async_copy(dst_hbm.at[cid, sid, j], dstc0.at[0], di0).wait()
        pltpu.sync_copy(rows0, agg_sh.at[dstc0.at[0]], add=True)

        @pl.when(j + 2 < NCH)
        def _():
            pltpu.async_copy(src_hbm.at[sid, j + 2], srcc0.at[0], si0)
            pltpu.async_copy(dst_hbm.at[cid, sid, j + 2], dstc0.at[0], di0)

        pltpu.make_async_copy(hp_sh.at[srcc1.at[0]], rows1, sg1).wait()
        pltpu.make_async_copy(dst_hbm.at[cid, sid, j + 1], dstc1.at[0],
                              di1).wait()
        pltpu.sync_copy(rows1, agg_sh.at[dstc1.at[0]], add=True)

        @pl.when(j + 3 < NCH)
        def _():
            pltpu.async_copy(src_hbm.at[sid, j + 3], srcc1.at[0], si1)
            pltpu.async_copy(dst_hbm.at[cid, sid, j + 3], dstc1.at[0], di1)

        return carry

    lax.fori_loop(0, NCH // 2, body, 0)
    plsc.subcore_barrier()
    pltpu.sync_copy(agg_sh.at[pl.ds(r0, ARPS)],
                    out_hbm.at[cid, pl.ds(r0, ARPS)])


RB = 1000


def _tc1_body(x_ref, xl_ref, deg_ref, wg_ref, wm_ref, bm_ref,
              hp_ref, mlp_ref, dinv_ref):
    deg = deg_ref[...]
    degs = deg[:, 0] + deg[:, 1] + 1.0
    dinv = lax.rsqrt(degs)
    x = x_ref[...]
    h = jnp.dot(x, wg_ref[...], preferred_element_type=jnp.float32)
    hp_ref[...] = h * dinv[:, None]
    m = jnp.dot(x, wm_ref[0:FD], preferred_element_type=jnp.float32)
    m = m + jnp.dot(xl_ref[...], wm_ref[FD:FD + LD],
                    preferred_element_type=jnp.float32)
    mlp_ref[...] = jnp.maximum(m + bm_ref[...], 0.0)
    dinv_ref[...] = dinv[:, None]


def _tc1(xfeat, xlabel, deg2, W_gcn, W_mlp, b_mlp2):
    grid = (N // RB,)
    return pl.pallas_call(
        _tc1_body,
        grid=grid,
        in_specs=[
            pl.BlockSpec((RB, FD), lambda i: (i, 0)),
            pl.BlockSpec((RB, LD), lambda i: (i, 0)),
            pl.BlockSpec((RB, NC), lambda i: (i, 0)),
            pl.BlockSpec((FD, HD), lambda i: (0, 0)),
            pl.BlockSpec((FD + LD, HD), lambda i: (0, 0)),
            pl.BlockSpec((1, HD), lambda i: (0, 0)),
        ],
        out_specs=[
            pl.BlockSpec((RB, HD), lambda i: (i, 0)),
            pl.BlockSpec((RB, HD), lambda i: (i, 0)),
            pl.BlockSpec((RB, 1), lambda i: (i, 0)),
        ],
        out_shape=[
            jax.ShapeDtypeStruct((N, HD), jnp.float32),
            jax.ShapeDtypeStruct((N, HD), jnp.float32),
            jax.ShapeDtypeStruct((N, 1), jnp.float32),
        ],
    )(xfeat, xlabel, deg2, W_gcn, W_mlp, b_mlp2)


def _tc2_body(agg_ref, hp_ref, mlp_ref, dinv_ref, bg_ref, wc_ref, bc_ref,
              out_ref):
    agg = agg_ref[0] + hp_ref[...]
    gcn = jnp.maximum(agg * dinv_ref[...] + bg_ref[...], 0.0)
    o = jnp.dot(gcn, wc_ref[0:HD], preferred_element_type=jnp.float32)
    o = o + jnp.dot(mlp_ref[...], wc_ref[HD:2 * HD],
                    preferred_element_type=jnp.float32)
    out_ref[...] = o + bc_ref[...]


_BPH = NHALF // RB


def _tc2(aggp, hp, mlp, dinv, b_gcn2, W_cls, b_cls2):
    grid = (N // RB,)
    return pl.pallas_call(
        _tc2_body,
        grid=grid,
        in_specs=[
            pl.BlockSpec((1, RB, HD), lambda i: (i // _BPH, i % _BPH, 0)),
            pl.BlockSpec((RB, HD), lambda i: (i, 0)),
            pl.BlockSpec((RB, HD), lambda i: (i, 0)),
            pl.BlockSpec((RB, 1), lambda i: (i, 0)),
            pl.BlockSpec((1, HD), lambda i: (0, 0)),
            pl.BlockSpec((2 * HD, OD), lambda i: (0, 0)),
            pl.BlockSpec((1, OD), lambda i: (0, 0)),
        ],
        out_specs=pl.BlockSpec((RB, OD), lambda i: (i, 0)),
        out_shape=jax.ShapeDtypeStruct((N, OD), jnp.float32),
    )(aggp, hp, mlp, dinv, b_gcn2, W_cls, b_cls2)


def kernel(xfeat, xlabel, edge_index, W_gcn, b_gcn, W_mlp, b_mlp, W_cls, b_cls):
    ei = edge_index.astype(jnp.int32)
    pad = EPAD - E
    srcp = jnp.concatenate([ei[0], jnp.zeros((pad,), jnp.int32)])
    dstp = jnp.concatenate([ei[1], jnp.full((pad,), N, jnp.int32)])
    dst3 = dstp.reshape(NW, DNCH, DCH)
    src3 = srcp.reshape(NS, NCH, CH)
    dst_lo = jnp.where(dstp < NHALF, dstp, NHALF)
    dst_hi = jnp.where(dstp >= NHALF, dstp - NHALF, NHALF)
    dst4 = jnp.stack([dst_lo, dst_hi]).reshape(NC, NS, NCH, CH)
    zeros1 = jnp.zeros((RPS,), jnp.float32)
    ones1 = jnp.ones((DCH,), jnp.float32)
    zeros2 = jnp.zeros((DCH, HD), jnp.float32)

    degp = _deg_kernel(dst3, zeros1, ones1).reshape(NC, NPAD)
    deg2 = degp[:, :N].T
    hp, mlp, dinv = _tc1(xfeat, xlabel, deg2, W_gcn, W_mlp,
                         b_mlp.reshape(1, HD))
    hp_pad = jnp.pad(hp, ((0, NPAD - N), (0, 0)))
    aggp = _agg_kernel(hp_pad, src3, dst4, zeros2)
    out = _tc2(aggp, hp, mlp, dinv, b_gcn.reshape(1, HD),
               W_cls, b_cls.reshape(1, OD))
    return out

# --- scband reference (transcript-rebuilt; emitter-appended) ---
"""Pipeline reference for scband-gcnand-mlpconcat-32298154065951 (READ-ONLY COPY).

The authoritative reference and input builder live on the scoring server;
editing this copy changes nothing except your own understanding.
"""

import jax, jax.numpy as jnp
import numpy as np

N_NODES = 10000
N_EDGES = 320000
XFEAT_DIM = 128
XLABEL_DIM = 16
HIDDEN = 128
OUT_DIM = 40


def setup_inputs(seed: int = 0) -> dict:
    key = jax.random.key(seed)
    ks = jax.random.split(key, 10)
    xfeat = jax.random.normal(ks[0], (N_NODES, XFEAT_DIM), dtype=jnp.float32)
    xlabel = jax.random.normal(ks[1], (N_NODES, XLABEL_DIM), dtype=jnp.float32)
    edge_index = jax.random.randint(ks[2], (2, N_EDGES), 0, N_NODES, dtype=jnp.int64) if jax.config.jax_enable_x64 else jax.random.randint(ks[2], (2, N_EDGES), 0, N_NODES, dtype=jnp.int32)
    # parameters (glorot-ish init)
    W_gcn = jax.random.normal(ks[3], (XFEAT_DIM, HIDDEN), dtype=jnp.float32) * (1.0 / np.sqrt(XFEAT_DIM))
    b_gcn = jnp.zeros((HIDDEN,), dtype=jnp.float32)
    W_mlp = jax.random.normal(ks[4], (XFEAT_DIM + XLABEL_DIM, HIDDEN), dtype=jnp.float32) * (1.0 / np.sqrt(XFEAT_DIM + XLABEL_DIM))
    b_mlp = jnp.zeros((HIDDEN,), dtype=jnp.float32)
    W_cls = jax.random.normal(ks[5], (2 * HIDDEN, OUT_DIM), dtype=jnp.float32) * (1.0 / np.sqrt(2 * HIDDEN))
    b_cls = jnp.zeros((OUT_DIM,), dtype=jnp.float32)
    return {"xfeat": xfeat, "xlabel": xlabel, "edge_index": edge_index,
            "W_gcn": W_gcn, "b_gcn": b_gcn, "W_mlp": W_mlp, "b_mlp": b_mlp,
            "W_cls": W_cls, "b_cls": b_cls}


def _gcn_conv(x, edge_index, W, b):
    # PyG GCNConv: add self-loops, symmetric normalization D^-1/2 (A+I) D^-1/2
    N = x.shape[0]
    loop = jnp.arange(N, dtype=edge_index.dtype)
    src = jnp.concatenate([edge_index[0], loop])
    dst = jnp.concatenate([edge_index[1], loop])
    deg = jnp.zeros((N,), dtype=jnp.float32).at[dst].add(1.0)
    dinv = jnp.where(deg > 0, jax.lax.rsqrt(jnp.maximum(deg, 1e-12)), 0.0)
    norm = dinv[src] * dinv[dst]
    h = x @ W
    msgs = jnp.take(h, src, axis=0) * norm[:, None]
    out = jnp.zeros((N, W.shape[1]), dtype=jnp.float32).at[dst].add(msgs)
    return out + b


def reference(xfeat, xlabel, edge_index, W_gcn, b_gcn, W_mlp, b_mlp, W_cls, b_cls):
    gcn_out = _gcn_conv(xfeat, edge_index, W_gcn, b_gcn)
    gcn_out = jax.nn.relu(gcn_out)
    mlp_input = jnp.concatenate([xfeat, xlabel], axis=1)
    mlp_out = jax.nn.relu(mlp_input @ W_mlp + b_mlp)
    combined = jnp.concatenate([gcn_out, mlp_out], axis=1)
    out = combined @ W_cls + b_cls
    return out

if __name__ == "__main__":
    import jax
    _d = setup_inputs()
    print(jax.jit(kernel)(*tuple(_d.values())))

</pallas_src>

<mosaic_0001>
#map = affine_map<(d0, d1) -> (0, 0, 0)>
#map1 = affine_map<(d0, d1) -> (0)>
module attributes {stable_mosaic.version = 14 : i64} {
  func.func @_deg_kernel(%arg0: i32, %arg1: i32, %arg2: memref<32x80x128xi32, #tpu.memory_space<hbm>>, %arg3: memref<632xf32, #tpu.memory_space<hbm>>, %arg4: memref<128xf32, #tpu.memory_space<hbm>>, %arg5: memref<20224xf32, #tpu.memory_space<hbm>>, %arg6: memref<80x128xi32, #tpu.memory_space<vmem>>, %arg7: memref<128xf32, #tpu.memory_space<vmem>>, %arg8: memref<632xf32, #tpu.memory_space<vmem>>, %arg9: memref<10112xf32, #tpu.memory_space<vmem_shared>>) attributes {dimension_semantics = [#tpu.dimension_semantics<core_parallel>, #tpu.dimension_semantics<subcore_parallel>], iteration_bounds = array<i64: 2, 16>, scalar_prefetch = 0 : i64, scratch_operands = 4 : i64, tpu.core_type = #tpu.core_type<sc_vector_subcore>, window_params = [{transform_indices = #map}, {transform_indices = #map1}, {transform_indices = #map1}, {transform_indices = #map1}]} {
    %mul3A = arith.constant 2 : i32
    %mul3A_0 = arith.muli %arg1, %mul3A : i32
    %add3A = arith.addi %mul3A_0, %arg0 : i32
    %mul3A_1 = arith.constant 632 : i32
    %mul3A_2 = arith.muli %arg1, %mul3A_1 : i32
    "tpu.region"() ({
      %run_scoped3A = tpu.sem_alloc : memref<!tpu.dma_semaphore, #tpu.memory_space<semaphore_mem>>
      tpu.enqueue_dma source(%arg3 : memref<632xf32, #tpu.memory_space<hbm>>) target(%arg8 : memref<632xf32, #tpu.memory_space<vmem>>) target_semaphore(%run_scoped3A : memref<!tpu.dma_semaphore, #tpu.memory_space<semaphore_mem>>)
      tpu.wait_dma2 semaphore(%run_scoped3A : memref<!tpu.dma_semaphore, #tpu.memory_space<semaphore_mem>>) src(%arg3 : memref<632xf32, #tpu.memory_space<hbm>>) dst(%arg8 : memref<632xf32, #tpu.memory_space<vmem>>)
      tpu.yield
    }) : () -> ()
    "tpu.region"() ({
      %run_scoped3A = tpu.sem_alloc : memref<!tpu.dma_semaphore, #tpu.memory_space<semaphore_mem>>
      %dma_start3A = tpu.memref_slice %arg9[%mul3A_2] : memref<10112xf32, #tpu.memory_space<vmem_shared>> -> memref<632xf32, #tpu.memory_space<vmem_shared>>
      %dma_start3A_12 = tpu.memref_slice %arg9[%mul3A_2] : memref<10112xf32, #tpu.memory_space<vmem_shared>> -> memref<632xf32, #tpu.memory_space<vmem_shared>>
      tpu.enqueue_dma source(%arg8 : memref<632xf32, #tpu.memory_space<vmem>>) target(%dma_start3A_12 : memref<632xf32, #tpu.memory_space<vmem_shared>>) target_semaphore(%run_scoped3A : memref<!tpu.dma_semaphore, #tpu.memory_space<semaphore_mem>>)
      %dma_wait3A = tpu.memref_slice %arg9[%mul3A_2] : memref<10112xf32, #tpu.memory_space<vmem_shared>> -> memref<632xf32, #tpu.memory_space<vmem_shared>>
      %dma_wait3A_13 = tpu.memref_slice %arg9[%mul3A_2] : memref<10112xf32, #tpu.memory_space<vmem_shared>> -> memref<632xf32, #tpu.memory_space<vmem_shared>>
      tpu.wait_dma2 semaphore(%run_scoped3A : memref<!tpu.dma_semaphore, #tpu.memory_space<semaphore_mem>>) src(%arg8 : memref<632xf32, #tpu.memory_space<vmem>>) dst(%dma_wait3A_13 : memref<632xf32, #tpu.memory_space<vmem_shared>>)
      tpu.yield
    }) : () -> ()
    "tpu.region"() ({
      %run_scoped3A = tpu.sem_alloc : memref<!tpu.dma_semaphore, #tpu.memory_space<semaphore_mem>>
      tpu.enqueue_dma source(%arg4 : memref<128xf32, #tpu.memory_space<hbm>>) target(%arg7 : memref<128xf32, #tpu.memory_space<vmem>>) target_semaphore(%run_scoped3A : memref<!tpu.dma_semaphore, #tpu.memory_space<semaphore_mem>>)
      tpu.wait_dma2 semaphore(%run_scoped3A : memref<!tpu.dma_semaphore, #tpu.memory_space<semaphore_mem>>) src(%arg4 : memref<128xf32, #tpu.memory_space<hbm>>) dst(%arg7 : memref<128xf32, #tpu.memory_space<vmem>>)
      tpu.yield
    }) : () -> ()
    "tpu.region"() ({
      %run_scoped3A = tpu.sem_alloc : memref<!tpu.dma_semaphore, #tpu.memory_space<semaphore_mem>>
      %dma_start3A = arith.constant 0 : i32
      %dma_start3A_12 = arith.constant 0 : i32
      %dma_start3A_13 = tpu.memref_slice %arg2[%add3A, %dma_start3A, %dma_start3A_12] : memref<32x80x128xi32, #tpu.memory_space<hbm>> -> memref<1x80x128xi32, #tpu.memory_space<hbm>>
      %dma_start3A_14 = tpu.memref_squeeze %dma_start3A_13 : memref<1x80x128xi32, #tpu.memory_space<hbm>> -> memref<80x128xi32, #tpu.memory_space<hbm>>
      %dma_start3A_15 = arith.constant 0 : i32
      %dma_start3A_16 = arith.constant 0 : i32
      %dma_start3A_17 = tpu.memref_slice %arg2[%add3A, %dma_start3A_15, %dma_start3A_16] : memref<32x80x128xi32, #tpu.memory_space<hbm>> -> memref<1x80x128xi32, #tpu.memory_space<hbm>>
      %dma_start3A_18 = tpu.memref_squeeze %dma_start3A_17 : memref<1x80x128xi32, #tpu.memory_space<hbm>> -> memref<80x128xi32, #tpu.memory_space<hbm>>
      tpu.enqueue_dma source(%dma_start3A_18 : memref<80x128xi32, #tpu.memory_space<hbm>>) target(%arg6 : memref<80x128xi32, #tpu.memory_space<vmem>>) target_semaphore(%run_scoped3A : memref<!tpu.dma_semaphore, #tpu.memory_space<semaphore_mem>>)
      %dma_wait3A = arith.constant 0 : i32
      %dma_wait3A_19 = arith.constant 0 : i32
      %dma_wait3A_20 = tpu.memref_slice %arg2[%add3A, %dma_wait3A, %dma_wait3A_19] : memref<32x80x128xi32, #tpu.memory_space<hbm>> -> memref<1x80x128xi32, #tpu.memory_space<hbm>>
      %dma_wait3A_21 = tpu.memref_squeeze %dma_wait3A_20 : memref<1x80x128xi32, #tpu.memory_space<hbm>> -> memref<80x128xi32, #tpu.memory_space<hbm>>
      %dma_wait3A_22 = arith.constant 0 : i32
      %dma_wait3A_23 = arith.constant 0 : i32
      %dma_wait3A_24 = tpu.memref_slice %arg2[%add3A, %dma_wait3A_22, %dma_wait3A_23] : memref<32x80x128xi32, #tpu.memory_space<hbm>> -> memref<1x80x128xi32, #tpu.memory_space<hbm>>
      %dma_wait3A_25 = tpu.memref_squeeze %dma_wait3A_24 : memref<1x80x128xi32, #tpu.memory_space<hbm>> -> memref<80x128xi32, #tpu.memory_space<hbm>>
      tpu.wait_dma2 semaphore(%run_scoped3A : memref<!tpu.dma_semaphore, #tpu.memory_space<semaphore_mem>>) src(%dma_wait3A_25 : memref<80x128xi32, #tpu.memory_space<hbm>>) dst(%arg6 : memref<80x128xi32, #tpu.memory_space<vmem>>)
      tpu.yield
    }) : () -> ()
    %barrier3A = arith.constant 0 : index
    tpu.barrier barrier_id(%barrier3A)
    %scan3A = arith.constant 0 : i32
    %scan3A_3 = arith.constant 0 : i32
    %scan3A_4 = arith.constant 80 : i32
    %scan3A_5 = arith.addi %scan3A_3, %scan3A_4 : i32
    %scan3A_6 = arith.constant 1 : i32
    scf.for %scan3A_12 = %scan3A_3 to %scan3A_5 step %scan3A_6  : i32 {
      "tpu.region"() ({
        %run_scoped3A = tpu.sem_alloc : memref<!tpu.dma_semaphore, #tpu.memory_space<semaphore_mem>>
        %dma_start3A = arith.constant 0 : i32
        %dma_start3A_13 = tpu.memref_slice %arg6[%scan3A_12, %dma_start3A] : memref<80x128xi32, #tpu.memory_space<vmem>> -> memref<1x128xi32, #tpu.memory_space<vmem>>
        %dma_start3A_14 = tpu.memref_squeeze %dma_start3A_13 : memref<1x128xi32, #tpu.memory_space<vmem>> -> memref<128xi32, #tpu.memory_space<vmem>>
        %dma_start3A_15 = arith.constant 0 : i32
        %dma_start3A_16 = tpu.memref_slice %arg9[%dma_start3A_15] : memref<10112xf32, #tpu.memory_space<vmem_shared>> -> memref<10112xf32, #tpu.memory_space<vmem_shared>>
        tpu.enqueue_indirect_dma source(%arg7 : memref<128xf32, #tpu.memory_space<vmem>>) target(%dma_start3A_16 : memref<10112xf32, #tpu.memory_space<vmem_shared>>) offsets(%dma_start3A_14 : memref<128xi32, #tpu.memory_space<vmem>>) semaphore(%run_scoped3A : memref<!tpu.dma_semaphore, #tpu.memory_space<semaphore_mem>>) {add = true}
        %dma_wait3A = arith.constant 0 : i32
        %dma_wait3A_17 = tpu.memref_slice %arg6[%scan3A_12, %dma_wait3A] : memref<80x128xi32, #tpu.memory_space<vmem>> -> memref<1x128xi32, #tpu.memory_space<vmem>>
        %dma_wait3A_18 = tpu.memref_squeeze %dma_wait3A_17 : memref<1x128xi32, #tpu.memory_space<vmem>> -> memref<128xi32, #tpu.memory_space<vmem>>
        %dma_wait3A_19 = arith.constant 0 : i32
        %dma_wait3A_20 = tpu.memref_slice %arg9[%dma_wait3A_19] : memref<10112xf32, #tpu.memory_space<vmem_shared>> -> memref<10112xf32, #tpu.memory_space<vmem_shared>>
        tpu.wait_indirect_dma semaphore(%run_scoped3A : memref<!tpu.dma_semaphore, #tpu.memory_space<semaphore_mem>>) src(%arg7 : memref<128xf32, #tpu.memory_space<vmem>>) dst(%dma_wait3A_20 : memref<10112xf32, #tpu.memory_space<vmem_shared>>)
        tpu.yield
      }) : () -> ()
    }
    %scan3A_7 = arith.constant 80 : i32
    %barrier3A_8 = arith.constant 0 : index
    tpu.barrier barrier_id(%barrier3A_8)
    "tpu.region"() ({
      %run_scoped3A = tpu.sem_alloc : memref<!tpu.dma_semaphore, #tpu.memory_space<semaphore_mem>>
      %dma_start3A = tpu.memref_slice %arg9[%mul3A_2] : memref<10112xf32, #tpu.memory_space<vmem_shared>> -> memref<632xf32, #tpu.memory_space<vmem_shared>>
      %dma_start3A_12 = tpu.memref_slice %arg9[%mul3A_2] : memref<10112xf32, #tpu.memory_space<vmem_shared>> -> memref<632xf32, #tpu.memory_space<vmem_shared>>
      tpu.enqueue_dma source(%dma_start3A_12 : memref<632xf32, #tpu.memory_space<vmem_shared>>) target(%arg8 : memref<632xf32, #tpu.memory_space<vmem>>) target_semaphore(%run_scoped3A : memref<!tpu.dma_semaphore, #tpu.memory_space<semaphore_mem>>)
      %dma_wait3A = tpu.memref_slice %arg9[%mul3A_2] : memref<10112xf32, #tpu.memory_space<vmem_shared>> -> memref<632xf32, #tpu.memory_space<vmem_shared>>
      %dma_wait3A_13 = tpu.memref_slice %arg9[%mul3A_2] : memref<10112xf32, #tpu.memory_space<vmem_shared>> -> memref<632xf32, #tpu.memory_space<vmem_shared>>
      tpu.wait_dma2 semaphore(%run_scoped3A : memref<!tpu.dma_semaphore, #tpu.memory_space<semaphore_mem>>) src(%dma_wait3A_13 : memref<632xf32, #tpu.memory_space<vmem_shared>>) dst(%arg8 : memref<632xf32, #tpu.memory_space<vmem>>)
      tpu.yield
    }) : () -> ()
    %mul3A_9 = arith.constant 10112 : i32
    %mul3A_10 = arith.muli %arg0, %mul3A_9 : i32
    %add3A_11 = arith.addi %mul3A_10, %mul3A_2 : i32
    "tpu.region"() ({
      %run_scoped3A = tpu.sem_alloc : memref<!tpu.dma_semaphore, #tpu.memory_space<semaphore_mem>>
      %dma_start3A = tpu.memref_slice %arg5[%add3A_11] : memref<20224xf32, #tpu.memory_space<hbm>> -> memref<632xf32, #tpu.memory_space<hbm>>
      %dma_start3A_12 = tpu.memref_slice %arg5[%add3A_11] : memref<20224xf32, #tpu.memory_space<hbm>> -> memref<632xf32, #tpu.memory_space<hbm>>
      tpu.enqueue_dma source(%arg8 : memref<632xf32, #tpu.memory_space<vmem>>) target(%dma_start3A_12 : memref<632xf32, #tpu.memory_space<hbm>>) target_semaphore(%run_scoped3A : memref<!tpu.dma_semaphore, #tpu.memory_space<semaphore_mem>>)
      %dma_wait3A = tpu.memref_slice %arg5[%add3A_11] : memref<20224xf32, #tpu.memory_space<hbm>> -> memref<632xf32, #tpu.memory_space<hbm>>
      %dma_wait3A_13 = tpu.memref_slice %arg5[%add3A_11] : memref<20224xf32, #tpu.memory_space<hbm>> -> memref<632xf32, #tpu.memory_space<hbm>>
      tpu.wait_dma2 semaphore(%run_scoped3A : memref<!tpu.dma_semaphore, #tpu.memory_space<semaphore_mem>>) src(%arg8 : memref<632xf32, #tpu.memory_space<vmem>>) dst(%dma_wait3A_13 : memref<632xf32, #tpu.memory_space<hbm>>)
      tpu.yield
    }) : () -> ()
    return
  }
}

#map = affine_map<(d0, d1) -> (0, 0)>
#map1 = affine_map<(d0, d1) -> (0, 0, 0)>
#map2 = affine_map<(d0, d1) -> (0, 0, 0, 0)>
module attributes {stable_mosaic.version = 14 : i64} {
  func.func @_agg_kernel(%arg0: i32, %arg1: i32, %arg2: memref<10112x128xf32, #tpu.memory_space<hbm>>, %arg3: memref<16x640x32xi32, #tpu.memory_space<hbm>>, %arg4: memref<2x16x640x32xi32, #tpu.memory_space<hbm>>, %arg5: memref<128x128xf32, #tpu.memory_space<hbm>>, %arg6: memref<2x5120x128xf32, #tpu.memory_space<hbm>>, %arg7: memref<1x32xi32, #tpu.memory_space<vmem>>, %arg8: memref<1x32xi32, #tpu.memory_space<vmem>>, %arg9: memref<1x32xi32, #tpu.memory_space<vmem>>, %arg10: memref<1x32xi32, #tpu.memory_space<vmem>>, %arg11: memref<32x128xf32, #tpu.memory_space<vmem>>, %arg12: memref<32x128xf32, #tpu.memory_space<vmem>>, %arg13: memref<10112x128xf32, #tpu.memory_space<vmem_shared>>, %arg14: memref<5120x128xf32, #tpu.memory_space<vmem_shared>>, %arg15: memref<!tpu.dma_semaphore, #tpu.memory_space<semaphore_mem>>, %arg16: memref<!tpu.dma_semaphore, #tpu.memory_space<semaphore_mem>>, %arg17: memref<!tpu.dma_semaphore, #tpu.memory_space<semaphore_mem>>, %arg18: memref<!tpu.dma_semaphore, #tpu.memory_space<semaphore_mem>>, %arg19: memref<!tpu.dma_semaphore, #tpu.memory_space<semaphore_mem>>, %arg20: memref<!tpu.dma_semaphore, #tpu.memory_space<semaphore_mem>>) attributes {dimension_semantics = [#tpu.dimension_semantics<core_parallel>, #tpu.dimension_semantics<subcore_parallel>], iteration_bounds = array<i64: 2, 16>, scalar_prefetch = 0 : i64, scratch_operands = 14 : i64, tpu.core_type = #tpu.core_type<sc_vector_subcore>, window_params = [{transform_indices = #map}, {transform_indices = #map1}, {transform_indices = #map2}, {transform_indices = #map}, {transform_indices = #map1}]} {
    %mul3A = arith.constant 320 : i32
    %mul3A_0 = arith.muli %arg1, %mul3A : i32
    %mul3A_1 = arith.constant 632 : i32
    %mul3A_2 = arith.muli %arg1, %mul3A_1 : i32
    "tpu.region"() ({
      %run_scoped3A = tpu.sem_alloc : memref<!tpu.dma_semaphore, #tpu.memory_space<semaphore_mem>>
      %dma_start3A_67 = arith.constant 0 : i32
      %dma_start3A_68 = tpu.memref_slice %arg13[%mul3A_2, %dma_start3A_67] : memref<10112x128xf32, #tpu.memory_space<vmem_shared>> -> memref<632x128xf32, #tpu.memory_space<vmem_shared>>
      %dma_start3A_69 = arith.constant 0 : i32
      %dma_start3A_70 = tpu.memref_slice %arg2[%mul3A_2, %dma_start3A_69] : memref<10112x128xf32, #tpu.memory_space<hbm>> -> memref<632x128xf32, #tpu.memory_space<hbm>>
      tpu.enqueue_dma source(%dma_start3A_70 : memref<632x128xf32, #tpu.memory_space<hbm>>) target(%dma_start3A_68 : memref<632x128xf32, #tpu.memory_space<vmem_shared>>) target_semaphore(%run_scoped3A : memref<!tpu.dma_semaphore, #tpu.memory_space<semaphore_mem>>)
      %dma_wait3A = arith.constant 0 : i32
      %dma_wait3A_71 = tpu.memref_slice %arg13[%mul3A_2, %dma_wait3A] : memref<10112x128xf32, #tpu.memory_space<vmem_shared>> -> memref<632x128xf32, #tpu.memory_space<vmem_shared>>
      %dma_wait3A_72 = arith.constant 0 : i32
      %dma_wait3A_73 = tpu.memref_slice %arg2[%mul3A_2, %dma_wait3A_72] : memref<10112x128xf32, #tpu.memory_space<hbm>> -> memref<632x128xf32, #tpu.memory_space<hbm>>
      tpu.wait_dma2 semaphore(%run_scoped3A : memref<!tpu.dma_semaphore, #tpu.memory_space<semaphore_mem>>) src(%dma_wait3A_73 : memref<632x128xf32, #tpu.memory_space<hbm>>) dst(%dma_wait3A_71 : memref<632x128xf32, #tpu.memory_space<vmem_shared>>)
      tpu.yield
    }) : () -> ()
    "tpu.region"() ({
      %run_scoped3A = tpu.sem_alloc : memref<!tpu.dma_semaphore, #tpu.memory_space<semaphore_mem>>
      %dma_start3A_67 = arith.constant 0 : i32
      %dma_start3A_68 = tpu.memref_slice %arg14[%mul3A_0, %dma_start3A_67] : memref<5120x128xf32, #tpu.memory_space<vmem_shared>> -> memref<128x128xf32, #tpu.memory_space<vmem_shared>>
      tpu.enqueue_dma source(%arg5 : memref<128x128xf32, #tpu.memory_space<hbm>>) target(%dma_start3A_68 : memref<128x128xf32, #tpu.memory_space<vmem_shared>>) target_semaphore(%run_scoped3A : memref<!tpu.dma_semaphore, #tpu.memory_space<semaphore_mem>>)
      %dma_wait3A = arith.constant 0 : i32
      %dma_wait3A_69 = tpu.memref_slice %arg14[%mul3A_0, %dma_wait3A] : memref<5120x128xf32, #tpu.memory_space<vmem_shared>> -> memref<128x128xf32, #tpu.memory_space<vmem_shared>>
      tpu.wait_dma2 semaphore(%run_scoped3A : memref<!tpu.dma_semaphore, #tpu.memory_space<semaphore_mem>>) src(%arg5 : memref<128x128xf32, #tpu.memory_space<hbm>>) dst(%dma_wait3A_69 : memref<128x128xf32, #tpu.memory_space<vmem_shared>>)
      tpu.yield
    }) : () -> ()
    %add3A = arith.constant 128 : i32
    %add3A_3 = arith.addi %mul3A_0, %add3A : i32
    "tpu.region"() ({
      %run_scoped3A = tpu.sem_alloc : memref<!tpu.dma_semaphore, #tpu.memory_space<semaphore_mem>>
      %dma_start3A_67 = arith.constant 0 : i32
      %dma_start3A_68 = tpu.memref_slice %arg14[%add3A_3, %dma_start3A_67] : memref<5120x128xf32, #tpu.memory_space<vmem_shared>> -> memref<128x128xf32, #tpu.memory_space<vmem_shared>>
      tpu.enqueue_dma source(%arg5 : memref<128x128xf32, #tpu.memory_space<hbm>>) target(%dma_start3A_68 : memref<128x128xf32, #tpu.memory_space<vmem_shared>>) target_semaphore(%run_scoped3A : memref<!tpu.dma_semaphore, #tpu.memory_space<semaphore_mem>>)
      %dma_wait3A = arith.constant 0 : i32
      %dma_wait3A_69 = tpu.memref_slice %arg14[%add3A_3, %dma_wait3A] : memref<5120x128xf32, #tpu.memory_space<vmem_shared>> -> memref<128x128xf32, #tpu.memory_space<vmem_shared>>
      tpu.wait_dma2 semaphore(%run_scoped3A : memref<!tpu.dma_semaphore, #tpu.memory_space<semaphore_mem>>) src(%arg5 : memref<128x128xf32, #tpu.memory_space<hbm>>) dst(%dma_wait3A_69 : memref<128x128xf32, #tpu.memory_space<vmem_shared>>)
      tpu.yield
    }) : () -> ()
    %add3A_4 = arith.constant 256 : i32
    %add3A_5 = arith.addi %mul3A_0, %add3A_4 : i32
    "tpu.region"() ({
      %run_scoped3A = tpu.sem_alloc : memref<!tpu.dma_semaphore, #tpu.memory_space<semaphore_mem>>
      %dma_start3A_67 = arith.constant 0 : i32
      %dma_start3A_68 = tpu.memref_slice %arg14[%add3A_5, %dma_start3A_67] : memref<5120x128xf32, #tpu.memory_space<vmem_shared>> -> memref<64x128xf32, #tpu.memory_space<vmem_shared>>
      %dma_start3A_69 = arith.constant 0 : i32
      %dma_start3A_70 = arith.constant 0 : i32
      %dma_start3A_71 = tpu.memref_slice %arg5[%dma_start3A_69, %dma_start3A_70] : memref<128x128xf32, #tpu.memory_space<hbm>> -> memref<64x128xf32, #tpu.memory_space<hbm>>
      tpu.enqueue_dma source(%dma_start3A_71 : memref<64x128xf32, #tpu.memory_space<hbm>>) target(%dma_start3A_68 : memref<64x128xf32, #tpu.memory_space<vmem_shared>>) target_semaphore(%run_scoped3A : memref<!tpu.dma_semaphore, #tpu.memory_space<semaphore_mem>>)
      %dma_wait3A = arith.constant 0 : i32
      %dma_wait3A_72 = tpu.memref_slice %arg14[%add3A_5, %dma_wait3A] : memref<5120x128xf32, #tpu.memory_space<vmem_shared>> -> memref<64x128xf32, #tpu.memory_space<vmem_shared>>
      %dma_wait3A_73 = arith.constant 0 : i32
      %dma_wait3A_74 = arith.constant 0 : i32
      %dma_wait3A_75 = tpu.memref_slice %arg5[%dma_wait3A_73, %dma_wait3A_74] : memref<128x128xf32, #tpu.memory_space<hbm>> -> memref<64x128xf32, #tpu.memory_space<hbm>>
      tpu.wait_dma2 semaphore(%run_scoped3A : memref<!tpu.dma_semaphore, #tpu.memory_space<semaphore_mem>>) src(%dma_wait3A_75 : memref<64x128xf32, #tpu.memory_space<hbm>>) dst(%dma_wait3A_72 : memref<64x128xf32, #tpu.memory_space<vmem_shared>>)
      tpu.yield
    }) : () -> ()
    %barrier3A = arith.constant 0 : index
    tpu.barrier barrier_id(%barrier3A)
    %dma_start3A = arith.constant 0 : i32
    %dma_start3A_6 = arith.constant 0 : i32
    %dma_start3A_7 = arith.constant 0 : i32
    %dma_start3A_8 = tpu.memref_slice %arg7[%dma_start3A_6, %dma_start3A_7] : memref<1x32xi32, #tpu.memory_space<vmem>> -> memref<1x32xi32, #tpu.memory_space<vmem>>
    %dma_start3A_9 = tpu.memref_squeeze %dma_start3A_8 : memref<1x32xi32, #tpu.memory_space<vmem>> -> memref<32xi32, #tpu.memory_space<vmem>>
    %dma_start3A_10 = arith.constant 0 : i32
    %dma_start3A_11 = tpu.memref_slice %arg3[%arg1, %dma_start3A, %dma_start3A_10] : memref<16x640x32xi32, #tpu.memory_space<hbm>> -> memref<1x1x32xi32, #tpu.memory_space<hbm>>
    %dma_start3A_12 = tpu.memref_squeeze %dma_start3A_11 : memref<1x1x32xi32, #tpu.memory_space<hbm>> -> memref<32xi32, #tpu.memory_space<hbm>>
    %dma_start3A_13 = arith.constant 0 : i32
    %dma_start3A_14 = tpu.memref_slice %arg7[%dma_start3A_6, %dma_start3A_13] : memref<1x32xi32, #tpu.memory_space<vmem>> -> memref<1x32xi32, #tpu.memory_space<vmem>>
    %dma_start3A_15 = tpu.memref_squeeze %dma_start3A_14 : memref<1x32xi32, #tpu.memory_space<vmem>> -> memref<32xi32, #tpu.memory_space<vmem>>
    %dma_start3A_16 = arith.constant 0 : i32
    %dma_start3A_17 = tpu.memref_slice %arg3[%arg1, %dma_start3A, %dma_start3A_16] : memref<16x640x32xi32, #tpu.memory_space<hbm>> -> memref<1x1x32xi32, #tpu.memory_space<hbm>>
    %dma_start3A_18 = tpu.memref_squeeze %dma_start3A_17 : memref<1x1x32xi32, #tpu.memory_space<hbm>> -> memref<32xi32, #tpu.memory_space<hbm>>
    tpu.enqueue_dma source(%dma_start3A_18 : memref<32xi32, #tpu.memory_space<hbm>>) target(%dma_start3A_15 : memref<32xi32, #tpu.memory_space<vmem>>) target_semaphore(%arg15 : memref<!tpu.dma_semaphore, #tpu.memory_space<semaphore_mem>>)
    %dma_start3A_19 = arith.constant 0 : i32
    %dma_start3A_20 = arith.constant 0 : i32
    %dma_start3A_21 = arith.constant 0 : i32
    %dma_start3A_22 = tpu.memref_slice %arg9[%dma_start3A_20, %dma_start3A_21] : memref<1x32xi32, #tpu.memory_space<vmem>> -> memref<1x32xi32, #tpu.memory_space<vmem>>
    %dma_start3A_23 = tpu.memref_squeeze %dma_start3A_22 : memref<1x32xi32, #tpu.memory_space<vmem>> -> memref<32xi32, #tpu.memory_space<vmem>>
    %dma_start3A_24 = arith.constant 0 : i32
    %dma_start3A_25 = tpu.memref_slice %arg4[%arg0, %arg1, %dma_start3A_19, %dma_start3A_24] : memref<2x16x640x32xi32, #tpu.memory_space<hbm>> -> memref<1x1x1x32xi32, #tpu.memory_space<hbm>>
    %dma_start3A_26 = tpu.memref_squeeze %dma_start3A_25 : memref<1x1x1x32xi32, #tpu.memory_space<hbm>> -> memref<32xi32, #tpu.memory_space<hbm>>
    %dma_start3A_27 = arith.constant 0 : i32
    %dma_start3A_28 = tpu.memref_slice %arg9[%dma_start3A_20, %dma_start3A_27] : memref<1x32xi32, #tpu.memory_space<vmem>> -> memref<1x32xi32, #tpu.memory_space<vmem>>
    %dma_start3A_29 = tpu.memref_squeeze %dma_start3A_28 : memref<1x32xi32, #tpu.memory_space<vmem>> -> memref<32xi32, #tpu.memory_space<vmem>>
    %dma_start3A_30 = arith.constant 0 : i32
    %dma_start3A_31 = tpu.memref_slice %arg4[%arg0, %arg1, %dma_start3A_19, %dma_start3A_30] : memref<2x16x640x32xi32, #tpu.memory_space<hbm>> -> memref<1x1x1x32xi32, #tpu.memory_space<hbm>>
    %dma_start3A_32 = tpu.memref_squeeze %dma_start3A_31 : memref<1x1x1x32xi32, #tpu.memory_space<hbm>> -> memref<32xi32, #tpu.memory_space<hbm>>
    tpu.enqueue_dma source(%dma_start3A_32 : memref<32xi32, #tpu.memory_space<hbm>>) target(%dma_start3A_29 : memref<32xi32, #tpu.memory_space<vmem>>) target_semaphore(%arg17 : memref<!tpu.dma_semaphore, #tpu.memory_space<semaphore_mem>>)
    %dma_start3A_33 = arith.constant 1 : i32
    %dma_start3A_34 = arith.constant 0 : i32
    %dma_start3A_35 = arith.constant 0 : i32
    %dma_start3A_36 = tpu.memref_slice %arg8[%dma_start3A_34, %dma_start3A_35] : memref<1x32xi32, #tpu.memory_space<vmem>> -> memref<1x32xi32, #tpu.memory_space<vmem>>
    %dma_start3A_37 = tpu.memref_squeeze %dma_start3A_36 : memref<1x32xi32, #tpu.memory_space<vmem>> -> memref<32xi32, #tpu.memory_space<vmem>>
    %dma_start3A_38 = arith.constant 0 : i32
    %dma_start3A_39 = tpu.memref_slice %arg3[%arg1, %dma_start3A_33, %dma_start3A_38] : memref<16x640x32xi32, #tpu.memory_space<hbm>> -> memref<1x1x32xi32, #tpu.memory_space<hbm>>
    %dma_start3A_40 = tpu.memref_squeeze %dma_start3A_39 : memref<1x1x32xi32, #tpu.memory_space<hbm>> -> memref<32xi32, #tpu.memory_space<hbm>>
    %dma_start3A_41 = arith.constant 0 : i32
    %dma_start3A_42 = tpu.memref_slice %arg8[%dma_start3A_34, %dma_start3A_41] : memref<1x32xi32, #tpu.memory_space<vmem>> -> memref<1x32xi32, #tpu.memory_space<vmem>>
    %dma_start3A_43 = tpu.memref_squeeze %dma_start3A_42 : memref<1x32xi32, #tpu.memory_space<vmem>> -> memref<32xi32, #tpu.memory_space<vmem>>
    %dma_start3A_44 = arith.constant 0 : i32
    %dma_start3A_45 = tpu.memref_slice %arg3[%arg1, %dma_start3A_33, %dma_start3A_44] : memref<16x640x32xi32, #tpu.memory_space<hbm>> -> memref<1x1x32xi32, #tpu.memory_space<hbm>>
    %dma_start3A_46 = tpu.memref_squeeze %dma_start3A_45 : memref<1x1x32xi32, #tpu.memory_space<hbm>> -> memref<32xi32, #tpu.memory_space<hbm>>
    tpu.enqueue_dma source(%dma_start3A_46 : memref<32xi32, #tpu.memory_space<hbm>>) target(%dma_start3A_43 : memref<32xi32, #tpu.memory_space<vmem>>) target_semaphore(%arg16 : memref<!tpu.dma_semaphore, #tpu.memory_space<semaphore_mem>>)
    %dma_start3A_47 = arith.constant 1 : i32
    %dma_start3A_48 = arith.constant 0 : i32
    %dma_start3A_49 = arith.constant 0 : i32
    %dma_start3A_50 = tpu.memref_slice %arg10[%dma_start3A_48, %dma_start3A_49] : memref<1x32xi32, #tpu.memory_space<vmem>> -> memref<1x32xi32, #tpu.memory_space<vmem>>
    %dma_start3A_51 = tpu.memref_squeeze %dma_start3A_50 : memref<1x32xi32, #tpu.memory_space<vmem>> -> memref<32xi32, #tpu.memory_space<vmem>>
    %dma_start3A_52 = arith.constant 0 : i32
    %dma_start3A_53 = tpu.memref_slice %arg4[%arg0, %arg1, %dma_start3A_47, %dma_start3A_52] : memref<2x16x640x32xi32, #tpu.memory_space<hbm>> -> memref<1x1x1x32xi32, #tpu.memory_space<hbm>>
    %dma_start3A_54 = tpu.memref_squeeze %dma_start3A_53 : memref<1x1x1x32xi32, #tpu.memory_space<hbm>> -> memref<32xi32, #tpu.memory_space<hbm>>
    %dma_start3A_55 = arith.constant 0 : i32
    %dma_start3A_56 = tpu.memref_slice %arg10[%dma_start3A_48, %dma_start3A_55] : memref<1x32xi32, #tpu.memory_space<vmem>> -> memref<1x32xi32, #tpu.memory_space<vmem>>
    %dma_start3A_57 = tpu.memref_squeeze %dma_start3A_56 : memref<1x32xi32, #tpu.memory_space<vmem>> -> memref<32xi32, #tpu.memory_space<vmem>>
    %dma_start3A_58 = arith.constant 0 : i32
    %dma_start3A_59 = tpu.memref_slice %arg4[%arg0, %arg1, %dma_start3A_47, %dma_start3A_58] : memref<2x16x640x32xi32, #tpu.memory_space<hbm>> -> memref<1x1x1x32xi32, #tpu.memory_space<hbm>>
    %dma_start3A_60 = tpu.memref_squeeze %dma_start3A_59 : memref<1x1x1x32xi32, #tpu.memory_space<hbm>> -> memref<32xi32, #tpu.memory_space<hbm>>
    tpu.enqueue_dma source(%dma_start3A_60 : memref<32xi32, #tpu.memory_space<hbm>>) target(%dma_start3A_57 : memref<32xi32, #tpu.memory_space<vmem>>) target_semaphore(%arg18 : memref<!tpu.dma_semaphore, #tpu.memory_space<semaphore_mem>>)
    %scan3A = arith.constant 0 : i32
    %scan3A_61 = arith.constant 0 : i32
    %scan3A_62 = arith.constant 320 : i32
    %scan3A_63 = arith.addi %scan3A_61, %scan3A_62 : i32
    %scan3A_64 = arith.constant 1 : i32
    scf.for %scan3A_67 = %scan3A_61 to %scan3A_63 step %scan3A_64  : i32 {
      %mul3A_68 = arith.constant 2 : i32
      %mul3A_69 = arith.muli %mul3A_68, %scan3A_67 : i32
      %dma_wait3A = arith.constant 0 : i32
      %dma_wait3A_70 = arith.constant 0 : i32
      %dma_wait3A_71 = tpu.memref_slice %arg7[%dma_wait3A, %dma_wait3A_70] : memref<1x32xi32, #tpu.memory_space<vmem>> -> memref<1x32xi32, #tpu.memory_space<vmem>>
      %dma_wait3A_72 = tpu.memref_squeeze %dma_wait3A_71 : memref<1x32xi32, #tpu.memory_space<vmem>> -> memref<32xi32, #tpu.memory_space<vmem>>
      %dma_wait3A_73 = arith.constant 0 : i32
      %dma_wait3A_74 = tpu.memref_slice %arg3[%arg1, %mul3A_69, %dma_wait3A_73] : memref<16x640x32xi32, #tpu.memory_space<hbm>> -> memref<1x1x32xi32, #tpu.memory_space<hbm>>
      %dma_wait3A_75 = tpu.memref_squeeze %dma_wait3A_74 : memref<1x1x32xi32, #tpu.memory_space<hbm>> -> memref<32xi32, #tpu.memory_space<hbm>>
      %dma_wait3A_76 = arith.constant 0 : i32
      %dma_wait3A_77 = tpu.memref_slice %arg7[%dma_wait3A, %dma_wait3A_76] : memref<1x32xi32, #tpu.memory_space<vmem>> -> memref<1x32xi32, #tpu.memory_space<vmem>>
      %dma_wait3A_78 = tpu.memref_squeeze %dma_wait3A_77 : memref<1x32xi32, #tpu.memory_space<vmem>> -> memref<32xi32, #tpu.memory_space<vmem>>
      %dma_wait3A_79 = arith.constant 0 : i32
      %dma_wait3A_80 = tpu.memref_slice %arg3[%arg1, %mul3A_69, %dma_wait3A_79] : memref<16x640x32xi32, #tpu.memory_space<hbm>> -> memref<1x1x32xi32, #tpu.memory_space<hbm>>
      %dma_wait3A_81 = tpu.memref_squeeze %dma_wait3A_80 : memref<1x1x32xi32, #tpu.memory_space<hbm>> -> memref<32xi32, #tpu.memory_space<hbm>>
      tpu.wait_dma2 semaphore(%arg15 : memref<!tpu.dma_semaphore, #tpu.memory_space<semaphore_mem>>) src(%dma_wait3A_81 : memref<32xi32, #tpu.memory_space<hbm>>) dst(%dma_wait3A_78 : memref<32xi32, #tpu.memory_space<vmem>>)
      %dma_start3A_82 = arith.constant 0 : i32
      %dma_start3A_83 = arith.constant 0 : i32
      %dma_start3A_84 = tpu.memref_slice %arg7[%dma_start3A_82, %dma_start3A_83] : memref<1x32xi32, #tpu.memory_space<vmem>> -> memref<1x32xi32, #tpu.memory_space<vmem>>
      %dma_start3A_85 = tpu.memref_squeeze %dma_start3A_84 : memref<1x32xi32, #tpu.memory_space<vmem>> -> memref<32xi32, #tpu.memory_space<vmem>>
      %dma_start3A_86 = arith.constant 0 : i32
      %dma_start3A_87 = arith.constant 0 : i32
      %dma_start3A_88 = tpu.memref_slice %arg13[%dma_start3A_86, %dma_start3A_87] : memref<10112x128xf32, #tpu.memory_space<vmem_shared>> -> memref<10112x128xf32, #tpu.memory_space<vmem_shared>>
      tpu.enqueue_indirect_dma source(%dma_start3A_88 : memref<10112x128xf32, #tpu.memory_space<vmem_shared>>) target(%arg11 : memref<32x128xf32, #tpu.memory_space<vmem>>) offsets(%dma_start3A_85 : memref<32xi32, #tpu.memory_space<vmem>>) semaphore(%arg19 : memref<!tpu.dma_semaphore, #tpu.memory_space<semaphore_mem>>)
      %add3A_89 = arith.constant 1 : i32
      %add3A_90 = arith.addi %mul3A_69, %add3A_89 : i32
      %dma_wait3A_91 = arith.constant 0 : i32
      %dma_wait3A_92 = arith.constant 0 : i32
      %dma_wait3A_93 = tpu.memref_slice %arg8[%dma_wait3A_91, %dma_wait3A_92] : memref<1x32xi32, #tpu.memory_space<vmem>> -> memref<1x32xi32, #tpu.memory_space<vmem>>
      %dma_wait3A_94 = tpu.memref_squeeze %dma_wait3A_93 : memref<1x32xi32, #tpu.memory_space<vmem>> -> memref<32xi32, #tpu.memory_space<vmem>>
      %dma_wait3A_95 = arith.constant 0 : i32
      %dma_wait3A_96 = tpu.memref_slice %arg3[%arg1, %add3A_90, %dma_wait3A_95] : memref<16x640x32xi32, #tpu.memory_space<hbm>> -> memref<1x1x32xi32, #tpu.memory_space<hbm>>
      %dma_wait3A_97 = tpu.memref_squeeze %dma_wait3A_96 : memref<1x1x32xi32, #tpu.memory_space<hbm>> -> memref<32xi32, #tpu.memory_space<hbm>>
      %dma_wait3A_98 = arith.constant 0 : i32
      %dma_wait3A_99 = tpu.memref_slice %arg8[%dma_wait3A_91, %dma_wait3A_98] : memref<1x32xi32, #tpu.memory_space<vmem>> -> memref<1x32xi32, #tpu.memory_space<vmem>>
      %dma_wait3A_100 = tpu.memref_squeeze %dma_wait3A_99 : memref<1x32xi32, #tpu.memory_space<vmem>> -> memref<32xi32, #tpu.memory_space<vmem>>
      %dma_wait3A_101 = arith.constant 0 : i32
      %dma_wait3A_102 = tpu.memref_slice %arg3[%arg1, %add3A_90, %dma_wait3A_101] : memref<16x640x32xi32, #tpu.memory_space<hbm>> -> memref<1x1x32xi32, #tpu.memory_space<hbm>>
      %dma_wait3A_103 = tpu.memref_squeeze %dma_wait3A_102 : memref<1x1x32xi32, #tpu.memory_space<hbm>> -> memref<32xi32, #tpu.memory_space<hbm>>
      tpu.wait_dma2 semaphore(%arg16 : memref<!tpu.dma_semaphore, #tpu.memory_space<semaphore_mem>>) src(%dma_wait3A_103 : memref<32xi32, #tpu.memory_space<hbm>>) dst(%dma_wait3A_100 : memref<32xi32, #tpu.memory_space<vmem>>)
      %dma_start3A_104 = arith.constant 0 : i32
      %dma_start3A_105 = arith.constant 0 : i32
      %dma_start3A_106 = tpu.memref_slice %arg8[%dma_start3A_104, %dma_start3A_105] : memref<1x32xi32, #tpu.memory_space<vmem>> -> memref<1x32xi32, #tpu.memory_space<vmem>>
      %dma_start3A_107 = tpu.memref_squeeze %dma_start3A_106 : memref<1x32xi32, #tpu.memory_space<vmem>> -> memref<32xi32, #tpu.memory_space<vmem>>
      %dma_start3A_108 = arith.constant 0 : i32
      %dma_start3A_109 = arith.constant 0 : i32
      %dma_start3A_110 = tpu.memref_slice %arg13[%dma_start3A_108, %dma_start3A_109] : memref<10112x128xf32, #tpu.memory_space<vmem_shared>> -> memref<10112x128xf32, #tpu.memory_space<vmem_shared>>
      tpu.enqueue_indirect_dma source(%dma_start3A_110 : memref<10112x128xf32, #tpu.memory_space<vmem_shared>>) target(%arg12 : memref<32x128xf32, #tpu.memory_space<vmem>>) offsets(%dma_start3A_107 : memref<32xi32, #tpu.memory_space<vmem>>) semaphore(%arg20 : memref<!tpu.dma_semaphore, #tpu.memory_space<semaphore_mem>>)
      %dma_wait3A_111 = arith.constant 0 : i32
      %dma_wait3A_112 = arith.constant 0 : i32
      %dma_wait3A_113 = tpu.memref_slice %arg7[%dma_wait3A_111, %dma_wait3A_112] : memref<1x32xi32, #tpu.memory_space<vmem>> -> memref<1x32xi32, #tpu.memory_space<vmem>>
      %dma_wait3A_114 = tpu.memref_squeeze %dma_wait3A_113 : memref<1x32xi32, #tpu.memory_space<vmem>> -> memref<32xi32, #tpu.memory_space<vmem>>
      %dma_wait3A_115 = arith.constant 0 : i32
      %dma_wait3A_116 = arith.constant 0 : i32
      %dma_wait3A_117 = tpu.memref_slice %arg13[%dma_wait3A_115, %dma_wait3A_116] : memref<10112x128xf32, #tpu.memory_space<vmem_shared>> -> memref<10112x128xf32, #tpu.memory_space<vmem_shared>>
      tpu.wait_indirect_dma semaphore(%arg19 : memref<!tpu.dma_semaphore, #tpu.memory_space<semaphore_mem>>) src(%dma_wait3A_117 : memref<10112x128xf32, #tpu.memory_space<vmem_shared>>) dst(%arg11 : memref<32x128xf32, #tpu.memory_space<vmem>>)
      %dma_wait3A_118 = arith.constant 0 : i32
      %dma_wait3A_119 = arith.constant 0 : i32
      %dma_wait3A_120 = tpu.memref_slice %arg9[%dma_wait3A_118, %dma_wait3A_119] : memref<1x32xi32, #tpu.memory_space<vmem>> -> memref<1x32xi32, #tpu.memory_space<vmem>>
      %dma_wait3A_121 = tpu.memref_squeeze %dma_wait3A_120 : memref<1x32xi32, #tpu.memory_space<vmem>> -> memref<32xi32, #tpu.memory_space<vmem>>
      %dma_wait3A_122 = arith.constant 0 : i32
      %dma_wait3A_123 = tpu.memref_slice %arg4[%arg0, %arg1, %mul3A_69, %dma_wait3A_122] : memref<2x16x640x32xi32, #tpu.memory_space<hbm>> -> memref<1x1x1x32xi32, #tpu.memory_space<hbm>>
      %dma_wait3A_124 = tpu.memref_squeeze %dma_wait3A_123 : memref<1x1x1x32xi32, #tpu.memory_space<hbm>> -> memref<32xi32, #tpu.memory_space<hbm>>
      %dma_wait3A_125 = arith.constant 0 : i32
      %dma_wait3A_126 = tpu.memref_slice %arg9[%dma_wait3A_118, %dma_wait3A_125] : memref<1x32xi32, #tpu.memory_space<vmem>> -> memref<1x32xi32, #tpu.memory_space<vmem>>
      %dma_wait3A_127 = tpu.memref_squeeze %dma_wait3A_126 : memref<1x32xi32, #tpu.memory_space<vmem>> -> memref<32xi32, #tpu.memory_space<vmem>>
      %dma_wait3A_128 = arith.constant 0 : i32
      %dma_wait3A_129 = tpu.memref_slice %arg4[%arg0, %arg1, %mul3A_69, %dma_wait3A_128] : memref<2x16x640x32xi32, #tpu.memory_space<hbm>> -> memref<1x1x1x32xi32, #tpu.memory_space<hbm>>
      %dma_wait3A_130 = tpu.memref_squeeze %dma_wait3A_129 : memref<1x1x1x32xi32, #tpu.memory_space<hbm>> -> memref<32xi32, #tpu.memory_space<hbm>>
      tpu.wait_dma2 semaphore(%arg17 : memref<!tpu.dma_semaphore, #tpu.memory_space<semaphore_mem>>) src(%dma_wait3A_130 : memref<32xi32, #tpu.memory_space<hbm>>) dst(%dma_wait3A_127 : memref<32xi32, #tpu.memory_space<vmem>>)
      %run_scoped3A = arith.constant 0 : i32
      "tpu.region"() ({
        %run_scoped3A_165 = tpu.sem_alloc : memref<!tpu.dma_semaphore, #tpu.memory_space<semaphore_mem>>
        %dma_start3A_166 = arith.constant 0 : i32
        %dma_start3A_167 = tpu.memref_slice %arg9[%run_scoped3A, %dma_start3A_166] : memref<1x32xi32, #tpu.memory_space<vmem>> -> memref<1x32xi32, #tpu.memory_space<vmem>>
        %dma_start3A_168 = tpu.memref_squeeze %dma_start3A_167 : memref<1x32xi32, #tpu.memory_space<vmem>> -> memref<32xi32, #tpu.memory_space<vmem>>
        %dma_start3A_169 = arith.constant 0 : i32
        %dma_start3A_170 = arith.constant 0 : i32
        %dma_start3A_171 = tpu.memref_slice %arg14[%dma_start3A_169, %dma_start3A_170] : memref<5120x128xf32, #tpu.memory_space<vmem_shared>> -> memref<5120x128xf32, #tpu.memory_space<vmem_shared>>
        tpu.enqueue_indirect_dma source(%arg11 : memref<32x128xf32, #tpu.memory_space<vmem>>) target(%dma_start3A_171 : memref<5120x128xf32, #tpu.memory_space<vmem_shared>>) offsets(%dma_start3A_168 : memref<32xi32, #tpu.memory_space<vmem>>) semaphore(%run_scoped3A_165 : memref<!tpu.dma_semaphore, #tpu.memory_space<semaphore_mem>>) {add = true}
        %dma_wait3A_172 = arith.constant 0 : i32
        %dma_wait3A_173 = tpu.memref_slice %arg9[%run_scoped3A, %dma_wait3A_172] : memref<1x32xi32, #tpu.memory_space<vmem>> -> memref<1x32xi32, #tpu.memory_space<vmem>>
        %dma_wait3A_174 = tpu.memref_squeeze %dma_wait3A_173 : memref<1x32xi32, #tpu.memory_space<vmem>> -> memref<32xi32, #tpu.memory_space<vmem>>
        %dma_wait3A_175 = arith.constant 0 : i32
        %dma_wait3A_176 = arith.constant 0 : i32
        %dma_wait3A_177 = tpu.memref_slice %arg14[%dma_wait3A_175, %dma_wait3A_176] : memref<5120x128xf32, #tpu.memory_space<vmem_shared>> -> memref<5120x128xf32, #tpu.memory_space<vmem_shared>>
        tpu.wait_indirect_dma semaphore(%run_scoped3A_165 : memref<!tpu.dma_semaphore, #tpu.memory_space<semaphore_mem>>) src(%arg11 : memref<32x128xf32, #tpu.memory_space<vmem>>) dst(%dma_wait3A_177 : memref<5120x128xf32, #tpu.memory_space<vmem_shared>>)
        tpu.yield
      }) : () -> ()
      %add3A_131 = arith.constant 2 : i32
      %add3A_132 = arith.addi %mul3A_69, %add3A_131 : i32
      %lt3A = arith.constant 640 : i32
      %lt3A_133 = arith.cmpi slt, %add3A_132, %lt3A : i32
      %convert_element_type3A = arith.extui %lt3A_133 : i1 to i32
      %cond3A = arith.constant 0 : i32
      %cond3A_134 = arith.cmpi ne, %convert_element_type3A, %cond3A : i32
      scf.if %cond3A_134 {
        %add3A_165 = arith.constant 2 : i32
        %add3A_166 = arith.addi %mul3A_69, %add3A_165 : i32
        %dma_start3A_167 = arith.constant 0 : i32
        %dma_start3A_168 = arith.constant 0 : i32
        %dma_start3A_169 = tpu.memref_slice %arg7[%dma_start3A_167, %dma_start3A_168] : memref<1x32xi32, #tpu.memory_space<vmem>> -> memref<1x32xi32, #tpu.memory_space<vmem>>
        %dma_start3A_170 = tpu.memref_squeeze %dma_start3A_169 : memref<1x32xi32, #tpu.memory_space<vmem>> -> memref<32xi32, #tpu.memory_space<vmem>>
        %dma_start3A_171 = arith.constant 0 : i32
        %dma_start3A_172 = tpu.memref_slice %arg3[%arg1, %add3A_166, %dma_start3A_171] : memref<16x640x32xi32, #tpu.memory_space<hbm>> -> memref<1x1x32xi32, #tpu.memory_space<hbm>>
        %dma_start3A_173 = tpu.memref_squeeze %dma_start3A_172 : memref<1x1x32xi32, #tpu.memory_space<hbm>> -> memref<32xi32, #tpu.memory_space<hbm>>
        %dma_start3A_174 = arith.constant 0 : i32
        %dma_start3A_175 = tpu.memref_slice %arg7[%dma_start3A_167, %dma_start3A_174] : memref<1x32xi32, #tpu.memory_space<vmem>> -> memref<1x32xi32, #tpu.memory_space<vmem>>
        %dma_start3A_176 = tpu.memref_squeeze %dma_start3A_175 : memref<1x32xi32, #tpu.memory_space<vmem>> -> memref<32xi32, #tpu.memory_space<vmem>>
        %dma_start3A_177 = arith.constant 0 : i32
        %dma_start3A_178 = tpu.memref_slice %arg3[%arg1, %add3A_166, %dma_start3A_177] : memref<16x640x32xi32, #tpu.memory_space<hbm>> -> memref<1x1x32xi32, #tpu.memory_space<hbm>>
        %dma_start3A_179 = tpu.memref_squeeze %dma_start3A_178 : memref<1x1x32xi32, #tpu.memory_space<hbm>> -> memref<32xi32, #tpu.memory_space<hbm>>
        tpu.enqueue_dma source(%dma_start3A_179 : memref<32xi32, #tpu.memory_space<hbm>>) target(%dma_start3A_176 : memref<32xi32, #tpu.memory_space<vmem>>) target_semaphore(%arg15 : memref<!tpu.dma_semaphore, #tpu.memory_space<semaphore_mem>>)
        %add3A_180 = arith.constant 2 : i32
        %add3A_181 = arith.addi %mul3A_69, %add3A_180 : i32
        %dma_start3A_182 = arith.constant 0 : i32
        %dma_start3A_183 = arith.constant 0 : i32
        %dma_start3A_184 = tpu.memref_slice %arg9[%dma_start3A_182, %dma_start3A_183] : memref<1x32xi32, #tpu.memory_space<vmem>> -> memref<1x32xi32, #tpu.memory_space<vmem>>
        %dma_start3A_185 = tpu.memref_squeeze %dma_start3A_184 : memref<1x32xi32, #tpu.memory_space<vmem>> -> memref<32xi32, #tpu.memory_space<vmem>>
        %dma_start3A_186 = arith.constant 0 : i32
        %dma_start3A_187 = tpu.memref_slice %arg4[%arg0, %arg1, %add3A_181, %dma_start3A_186] : memref<2x16x640x32xi32, #tpu.memory_space<hbm>> -> memref<1x1x1x32xi32, #tpu.memory_space<hbm>>
        %dma_start3A_188 = tpu.memref_squeeze %dma_start3A_187 : memref<1x1x1x32xi32, #tpu.memory_space<hbm>> -> memref<32xi32, #tpu.memory_space<hbm>>
        %dma_start3A_189 = arith.constant 0 : i32
        %dma_start3A_190 = tpu.memref_slice %arg9[%dma_start3A_182, %dma_start3A_189] : memref<1x32xi32, #tpu.memory_space<vmem>> -> memref<1x32xi32, #tpu.memory_space<vmem>>
        %dma_start3A_191 = tpu.memref_squeeze %dma_start3A_190 : memref<1x32xi32, #tpu.memory_space<vmem>> -> memref<32xi32, #tpu.memory_space<vmem>>
        %dma_start3A_192 = arith.constant 0 : i32
        %dma_start3A_193 = tpu.memref_slice %arg4[%arg0, %arg1, %add3A_181, %dma_start3A_192] : memref<2x16x640x32xi32, #tpu.memory_space<hbm>> -> memref<1x1x1x32xi32, #tpu.memory_space<hbm>>
        %dma_start3A_194 = tpu.memref_squeeze %dma_start3A_193 : memref<1x1x1x32xi32, #tpu.memory_space<hbm>> -> memref<32xi32, #tpu.memory_space<hbm>>
        tpu.enqueue_dma source(%dma_start3A_194 : memref<32xi32, #tpu.memory_space<hbm>>) target(%dma_start3A_191 : memref<32xi32, #tpu.memory_space<vmem>>) target_semaphore(%arg17 : memref<!tpu.dma_semaphore, #tpu.memory_space<semaphore_mem>>)
      } else {
      }
      %dma_wait3A_135 = arith.constant 0 : i32
      %dma_wait3A_136 = arith.constant 0 : i32
      %dma_wait3A_137 = tpu.memref_slice %arg8[%dma_wait3A_135, %dma_wait3A_136] : memref<1x32xi32, #tpu.memory_space<vmem>> -> memref<1x32xi32, #tpu.memory_space<vmem>>
      %dma_wait3A_138 = tpu.memref_squeeze %dma_wait3A_137 : memref<1x32xi32, #tpu.memory_space<vmem>> -> memref<32xi32, #tpu.memory_space<vmem>>
      %dma_wait3A_139 = arith.constant 0 : i32
      %dma_wait3A_140 = arith.constant 0 : i32
      %dma_wait3A_141 = tpu.memref_slice %arg13[%dma_wait3A_139, %dma_wait3A_140] : memref<10112x128xf32, #tpu.memory_space<vmem_shared>> -> memref<10112x128xf32, #tpu.memory_space<vmem_shared>>
      tpu.wait_indirect_dma semaphore(%arg20 : memref<!tpu.dma_semaphore, #tpu.memory_space<semaphore_mem>>) src(%dma_wait3A_141 : memref<10112x128xf32, #tpu.memory_space<vmem_shared>>) dst(%arg12 : memref<32x128xf32, #tpu.memory_space<vmem>>)
      %add3A_142 = arith.constant 1 : i32
      %add3A_143 = arith.addi %mul3A_69, %add3A_142 : i32
      %dma_wait3A_144 = arith.constant 0 : i32
      %dma_wait3A_145 = arith.constant 0 : i32
      %dma_wait3A_146 = tpu.memref_slice %arg10[%dma_wait3A_144, %dma_wait3A_145] : memref<1x32xi32, #tpu.memory_space<vmem>> -> memref<1x32xi32, #tpu.memory_space<vmem>>
      %dma_wait3A_147 = tpu.memref_squeeze %dma_wait3A_146 : memref<1x32xi32, #tpu.memory_space<vmem>> -> memref<32xi32, #tpu.memory_space<vmem>>
      %dma_wait3A_148 = arith.constant 0 : i32
      %dma_wait3A_149 = tpu.memref_slice %arg4[%arg0, %arg1, %add3A_143, %dma_wait3A_148] : memref<2x16x640x32xi32, #tpu.memory_space<hbm>> -> memref<1x1x1x32xi32, #tpu.memory_space<hbm>>
      %dma_wait3A_150 = tpu.memref_squeeze %dma_wait3A_149 : memref<1x1x1x32xi32, #tpu.memory_space<hbm>> -> memref<32xi32, #tpu.memory_space<hbm>>
      %dma_wait3A_151 = arith.constant 0 : i32
      %dma_wait3A_152 = tpu.memref_slice %arg10[%dma_wait3A_144, %dma_wait3A_151] : memref<1x32xi32, #tpu.memory_space<vmem>> -> memref<1x32xi32, #tpu.memory_space<vmem>>
      %dma_wait3A_153 = tpu.memref_squeeze %dma_wait3A_152 : memref<1x32xi32, #tpu.memory_space<vmem>> -> memref<32xi32, #tpu.memory_space<vmem>>
      %dma_wait3A_154 = arith.constant 0 : i32
      %dma_wait3A_155 = tpu.memref_slice %arg4[%arg0, %arg1, %add3A_143, %dma_wait3A_154] : memref<2x16x640x32xi32, #tpu.memory_space<hbm>> -> memref<1x1x1x32xi32, #tpu.memory_space<hbm>>
      %dma_wait3A_156 = tpu.memref_squeeze %dma_wait3A_155 : memref<1x1x1x32xi32, #tpu.memory_space<hbm>> -> memref<32xi32, #tpu.memory_space<hbm>>
      tpu.wait_dma2 semaphore(%arg18 : memref<!tpu.dma_semaphore, #tpu.memory_space<semaphore_mem>>) src(%dma_wait3A_156 : memref<32xi32, #tpu.memory_space<hbm>>) dst(%dma_wait3A_153 : memref<32xi32, #tpu.memory_space<vmem>>)
      %run_scoped3A_157 = arith.constant 0 : i32
      "tpu.region"() ({
        %run_scoped3A_165 = tpu.sem_alloc : memref<!tpu.dma_semaphore, #tpu.memory_space<semaphore_mem>>
        %dma_start3A_166 = arith.constant 0 : i32
        %dma_start3A_167 = tpu.memref_slice %arg10[%run_scoped3A_157, %dma_start3A_166] : memref<1x32xi32, #tpu.memory_space<vmem>> -> memref<1x32xi32, #tpu.memory_space<vmem>>
        %dma_start3A_168 = tpu.memref_squeeze %dma_start3A_167 : memref<1x32xi32, #tpu.memory_space<vmem>> -> memref<32xi32, #tpu.memory_space<vmem>>
        %dma_start3A_169 = arith.constant 0 : i32
        %dma_start3A_170 = arith.constant 0 : i32
        %dma_start3A_171 = tpu.memref_slice %arg14[%dma_start3A_169, %dma_start3A_170] : memref<5120x128xf32, #tpu.memory_space<vmem_shared>> -> memref<5120x128xf32, #tpu.memory_space<vmem_shared>>
        tpu.enqueue_indirect_dma source(%arg12 : memref<32x128xf32, #tpu.memory_space<vmem>>) target(%dma_start3A_171 : memref<5120x128xf32, #tpu.memory_space<vmem_shared>>) offsets(%dma_start3A_168 : memref<32xi32, #tpu.memory_space<vmem>>) semaphore(%run_scoped3A_165 : memref<!tpu.dma_semaphore, #tpu.memory_space<semaphore_mem>>) {add = true}
        %dma_wait3A_172 = arith.constant 0 : i32
        %dma_wait3A_173 = tpu.memref_slice %arg10[%run_scoped3A_157, %dma_wait3A_172] : memref<1x32xi32, #tpu.memory_space<vmem>> -> memref<1x32xi32, #tpu.memory_space<vmem>>
        %dma_wait3A_174 = tpu.memref_squeeze %dma_wait3A_173 : memref<1x32xi32, #tpu.memory_space<vmem>> -> memref<32xi32, #tpu.memory_space<vmem>>
        %dma_wait3A_175 = arith.constant 0 : i32
        %dma_wait3A_176 = arith.constant 0 : i32
        %dma_wait3A_177 = tpu.memref_slice %arg14[%dma_wait3A_175, %dma_wait3A_176] : memref<5120x128xf32, #tpu.memory_space<vmem_shared>> -> memref<5120x128xf32, #tpu.memory_space<vmem_shared>>
        tpu.wait_indirect_dma semaphore(%run_scoped3A_165 : memref<!tpu.dma_semaphore, #tpu.memory_space<semaphore_mem>>) src(%arg12 : memref<32x128xf32, #tpu.memory_space<vmem>>) dst(%dma_wait3A_177 : memref<5120x128xf32, #tpu.memory_space<vmem_shared>>)
        tpu.yield
      }) : () -> ()
      %add3A_158 = arith.constant 3 : i32
      %add3A_159 = arith.addi %mul3A_69, %add3A_158 : i32
      %lt3A_160 = arith.constant 640 : i32
      %lt3A_161 = arith.cmpi slt, %add3A_159, %lt3A_160 : i32
      %convert_element_type3A_162 = arith.extui %lt3A_161 : i1 to i32
      %cond3A_163 = arith.constant 0 : i32
      %cond3A_164 = arith.cmpi ne, %convert_element_type3A_162, %cond3A_163 : i32
      scf.if %cond3A_164 {
        %add3A_165 = arith.constant 3 : i32
        %add3A_166 = arith.addi %mul3A_69, %add3A_165 : i32
        %dma_start3A_167 = arith.constant 0 : i32
        %dma_start3A_168 = arith.constant 0 : i32
        %dma_start3A_169 = tpu.memref_slice %arg8[%dma_start3A_167, %dma_start3A_168] : memref<1x32xi32, #tpu.memory_space<vmem>> -> memref<1x32xi32, #tpu.memory_space<vmem>>
        %dma_start3A_170 = tpu.memref_squeeze %dma_start3A_169 : memref<1x32xi32, #tpu.memory_space<vmem>> -> memref<32xi32, #tpu.memory_space<vmem>>
        %dma_start3A_171 = arith.constant 0 : i32
        %dma_start3A_172 = tpu.memref_slice %arg3[%arg1, %add3A_166, %dma_start3A_171] : memref<16x640x32xi32, #tpu.memory_space<hbm>> -> memref<1x1x32xi32, #tpu.memory_space<hbm>>
        %dma_start3A_173 = tpu.memref_squeeze %dma_start3A_172 : memref<1x1x32xi32, #tpu.memory_space<hbm>> -> memref<32xi32, #tpu.memory_space<hbm>>
        %dma_start3A_174 = arith.constant 0 : i32
        %dma_start3A_175 = tpu.memref_slice %arg8[%dma_start3A_167, %dma_start3A_174] : memref<1x32xi32, #tpu.memory_space<vmem>> -> memref<1x32xi32, #tpu.memory_space<vmem>>
        %dma_start3A_176 = tpu.memref_squeeze %dma_start3A_175 : memref<1x32xi32, #tpu.memory_space<vmem>> -> memref<32xi32, #tpu.memory_space<vmem>>
        %dma_start3A_177 = arith.constant 0 : i32
        %dma_start3A_178 = tpu.memref_slice %arg3[%arg1, %add3A_166, %dma_start3A_177] : memref<16x640x32xi32, #tpu.memory_space<hbm>> -> memref<1x1x32xi32, #tpu.memory_space<hbm>>
        %dma_start3A_179 = tpu.memref_squeeze %dma_start3A_178 : memref<1x1x32xi32, #tpu.memory_space<hbm>> -> memref<32xi32, #tpu.memory_space<hbm>>
        tpu.enqueue_dma source(%dma_start3A_179 : memref<32xi32, #tpu.memory_space<hbm>>) target(%dma_start3A_176 : memref<32xi32, #tpu.memory_space<vmem>>) target_semaphore(%arg16 : memref<!tpu.dma_semaphore, #tpu.memory_space<semaphore_mem>>)
        %add3A_180 = arith.constant 3 : i32
        %add3A_181 = arith.addi %mul3A_69, %add3A_180 : i32
        %dma_start3A_182 = arith.constant 0 : i32
        %dma_start3A_183 = arith.constant 0 : i32
        %dma_start3A_184 = tpu.memref_slice %arg10[%dma_start3A_182, %dma_start3A_183] : memref<1x32xi32, #tpu.memory_space<vmem>> -> memref<1x32xi32, #tpu.memory_space<vmem>>
        %dma_start3A_185 = tpu.memref_squeeze %dma_start3A_184 : memref<1x32xi32, #tpu.memory_space<vmem>> -> memref<32xi32, #tpu.memory_space<vmem>>
        %dma_start3A_186 = arith.constant 0 : i32
        %dma_start3A_187 = tpu.memref_slice %arg4[%arg0, %arg1, %add3A_181, %dma_start3A_186] : memref<2x16x640x32xi32, #tpu.memory_space<hbm>> -> memref<1x1x1x32xi32, #tpu.memory_space<hbm>>
        %dma_start3A_188 = tpu.memref_squeeze %dma_start3A_187 : memref<1x1x1x32xi32, #tpu.memory_space<hbm>> -> memref<32xi32, #tpu.memory_space<hbm>>
        %dma_start3A_189 = arith.constant 0 : i32
        %dma_start3A_190 = tpu.memref_slice %arg10[%dma_start3A_182, %dma_start3A_189] : memref<1x32xi32, #tpu.memory_space<vmem>> -> memref<1x32xi32, #tpu.memory_space<vmem>>
        %dma_start3A_191 = tpu.memref_squeeze %dma_start3A_190 : memref<1x32xi32, #tpu.memory_space<vmem>> -> memref<32xi32, #tpu.memory_space<vmem>>
        %dma_start3A_192 = arith.constant 0 : i32
        %dma_start3A_193 = tpu.memref_slice %arg4[%arg0, %arg1, %add3A_181, %dma_start3A_192] : memref<2x16x640x32xi32, #tpu.memory_space<hbm>> -> memref<1x1x1x32xi32, #tpu.memory_space<hbm>>
        %dma_start3A_194 = tpu.memref_squeeze %dma_start3A_193 : memref<1x1x1x32xi32, #tpu.memory_space<hbm>> -> memref<32xi32, #tpu.memory_space<hbm>>
        tpu.enqueue_dma source(%dma_start3A_194 : memref<32xi32, #tpu.memory_space<hbm>>) target(%dma_start3A_191 : memref<32xi32, #tpu.memory_space<vmem>>) target_semaphore(%arg18 : memref<!tpu.dma_semaphore, #tpu.memory_space<semaphore_mem>>)
      } else {
      }
    }
    %scan3A_65 = arith.constant 320 : i32
    %barrier3A_66 = arith.constant 0 : index
    tpu.barrier barrier_id(%barrier3A_66)
    "tpu.region"() ({
      %run_scoped3A = tpu.sem_alloc : memref<!tpu.dma_semaphore, #tpu.memory_space<semaphore_mem>>
      %dma_start3A_67 = arith.constant 0 : i32
      %dma_start3A_68 = tpu.memref_slice %arg6[%arg0, %mul3A_0, %dma_start3A_67] : memref<2x5120x128xf32, #tpu.memory_space<hbm>> -> memref<1x320x128xf32, #tpu.memory_space<hbm>>
      %dma_start3A_69 = tpu.memref_squeeze %dma_start3A_68 : memref<1x320x128xf32, #tpu.memory_space<hbm>> -> memref<320x128xf32, #tpu.memory_space<hbm>>
      %dma_start3A_70 = arith.constant 0 : i32
      %dma_start3A_71 = tpu.memref_slice %arg14[%mul3A_0, %dma_start3A_70] : memref<5120x128xf32, #tpu.memory_space<vmem_shared>> -> memref<320x128xf32, #tpu.memory_space<vmem_shared>>
      tpu.enqueue_dma source(%dma_start3A_71 : memref<320x128xf32, #tpu.memory_space<vmem_shared>>) target(%dma_start3A_69 : memref<320x128xf32, #tpu.memory_space<hbm>>) target_semaphore(%run_scoped3A : memref<!tpu.dma_semaphore, #tpu.memory_space<semaphore_mem>>)
      %dma_wait3A = arith.constant 0 : i32
      %dma_wait3A_72 = tpu.memref_slice %arg6[%arg0, %mul3A_0, %dma_wait3A] : memref<2x5120x128xf32, #tpu.memory_space<hbm>> -> memref<1x320x128xf32, #tpu.memory_space<hbm>>
      %dma_wait3A_73 = tpu.memref_squeeze %dma_wait3A_72 : memref<1x320x128xf32, #tpu.memory_space<hbm>> -> memref<320x128xf32, #tpu.memory_space<hbm>>
      %dma_wait3A_74 = arith.constant 0 : i32
      %dma_wait3A_75 = tpu.memref_slice %arg14[%mul3A_0, %dma_wait3A_74] : memref<5120x128xf32, #tpu.memory_space<vmem_shared>> -> memref<320x128xf32, #tpu.memory_space<vmem_shared>>
      tpu.wait_dma2 semaphore(%run_scoped3A : memref<!tpu.dma_semaphore, #tpu.memory_space<semaphore_mem>>) src(%dma_wait3A_75 : memref<320x128xf32, #tpu.memory_space<vmem_shared>>) dst(%dma_wait3A_73 : memref<320x128xf32, #tpu.memory_space<hbm>>)
      tpu.yield
    }) : () -> ()
    return
  }
}

module attributes {stable_mosaic.version = 14 : i64} {
  func.func @_tc1_body(%arg0: i32, %arg1: memref<1000x128xf32, #tpu.memory_space<vmem>>, %arg2: memref<1000x16xf32, #tpu.memory_space<vmem>>, %arg3: memref<1000x2xf32, #tpu.memory_space<vmem>>, %arg4: memref<128x128xf32, #tpu.memory_space<vmem>>, %arg5: memref<144x128xf32, #tpu.memory_space<vmem>>, %arg6: memref<1x128xf32, #tpu.memory_space<vmem>>, %arg7: memref<1000x128xf32, #tpu.memory_space<vmem>>, %arg8: memref<1000x128xf32, #tpu.memory_space<vmem>>, %arg9: memref<1000x1xf32, #tpu.memory_space<vmem>>) attributes {dimension_semantics = [#tpu.dimension_semantics<arbitrary>], iteration_bounds = array<i64: 10>, scalar_prefetch = 0 : i64, scratch_operands = 0 : i64, tpu.core_type = #tpu.core_type<tc>, window_params = [{transform_indices = @transform_0, window_bounds = array<i64: 1000, 128>}, {transform_indices = @transform_1, window_bounds = array<i64: 1000, 16>}, {transform_indices = @transform_2, window_bounds = array<i64: 1000, 2>}, {pipeline_mode = #tpu.pipeline_mode<synchronous>, transform_indices = @transform_3, window_bounds = array<i64: 128, 128>}, {pipeline_mode = #tpu.pipeline_mode<synchronous>, transform_indices = @transform_4, window_bounds = array<i64: 144, 128>}, {pipeline_mode = #tpu.pipeline_mode<synchronous>, transform_indices = @transform_5, window_bounds = array<i64: 1, 128>}, {transform_indices = @transform_6, window_bounds = array<i64: 1000, 128>}, {transform_indices = @transform_7, window_bounds = array<i64: 1000, 128>}, {transform_indices = @transform_8, window_bounds = array<i64: 1000, 1>}]} {
    %get3A = arith.constant 0 : index
    %get3A_0 = arith.constant 0 : index
    %get3A_1 = vector.load %arg3[%get3A, %get3A_0] : memref<1000x2xf32, #tpu.memory_space<vmem>>, vector<1000x2xf32>
    %slice3A = vector.extract_strided_slice %get3A_1 {offsets = [0, 0], sizes = [1000, 1], strides = [1, 1]} : vector<1000x2xf32> to vector<1000x1xf32>
    %squeeze3A = vector.shape_cast %slice3A : vector<1000x1xf32> to vector<1000xf32>
    %slice3A_2 = vector.extract_strided_slice %get3A_1 {offsets = [0, 1], sizes = [1000, 1], strides = [1, 1]} : vector<1000x2xf32> to vector<1000x1xf32>
    %squeeze3A_3 = vector.shape_cast %slice3A_2 : vector<1000x1xf32> to vector<1000xf32>
    %add3A = arith.addf %squeeze3A, %squeeze3A_3 : vector<1000xf32>
    %add3A_4 = arith.constant 1.000000e+00 : f32
    %add3A_5 = vector.broadcast %add3A_4 : f32 to vector<1000xf32>
    %add3A_6 = arith.addf %add3A, %add3A_5 : vector<1000xf32>
    %rsqrt3A = math.rsqrt %add3A_6 : vector<1000xf32>
    %get3A_7 = arith.constant 0 : index
    %get3A_8 = arith.constant 0 : index
    %get3A_9 = vector.load %arg1[%get3A_7, %get3A_8] : memref<1000x128xf32, #tpu.memory_space<vmem>>, vector<1000x128xf32>
    %get3A_10 = arith.constant 0 : index
    %get3A_11 = arith.constant 0 : index
    %get3A_12 = vector.load %arg4[%get3A_10, %get3A_11] : memref<128x128xf32, #tpu.memory_space<vmem>>, vector<128x128xf32>
    %dot_general3A = arith.constant dense<0.000000e+00> : vector<1000x128xf32>
    %dot_general3A_13 = tpu.matmul %get3A_9, %get3A_12, %dot_general3A {dimension_numbers = #tpu.dot_dimension_numbers<[1], [0], [0], [1], [0, 0, 1, 1], [], []>, transpose_lhs_hint = false} : vector<1000x128xf32>, vector<128x128xf32>, vector<1000x128xf32> -> vector<1000x128xf32>
    %broadcast_in_dim3A = vector.shape_cast %rsqrt3A : vector<1000xf32> to vector<1000x1xf32>
    %mul3A = vector.broadcast %broadcast_in_dim3A : vector<1000x1xf32> to vector<1000x128xf32>
    %mul3A_14 = arith.mulf %dot_general3A_13, %mul3A : vector<1000x128xf32>
    %swap3A = arith.constant 0 : index
    %swap3A_15 = arith.constant 0 : index
    %swap3A_16 = vector.load %arg7[%swap3A, %swap3A_15] : memref<1000x128xf32, #tpu.memory_space<vmem>>, vector<1000x128xf32>
    tpu.vector_store %arg7[%swap3A, %swap3A_15], %mul3A_14 {strides = array<i32>} : memref<1000x128xf32, #tpu.memory_space<vmem>>, vector<1000x128xf32>,
    %get3A_17 = arith.constant 0 : index
    %get3A_18 = arith.constant 0 : index
    %get3A_19 = vector.load %arg5[%get3A_17, %get3A_18] : memref<144x128xf32, #tpu.memory_space<vmem>>, vector<128x128xf32>
    %dot_general3A_20 = arith.constant dense<0.000000e+00> : vector<1000x128xf32>
    %dot_general3A_21 = tpu.matmul %get3A_9, %get3A_19, %dot_general3A_20 {dimension_numbers = #tpu.dot_dimension_numbers<[1], [0], [0], [1], [0, 0, 1, 1], [], []>, transpose_lhs_hint = false} : vector<1000x128xf32>, vector<128x128xf32>, vector<1000x128xf32> -> vector<1000x128xf32>
    %get3A_22 = arith.constant 0 : index
    %get3A_23 = arith.constant 0 : index
    %get3A_24 = vector.load %arg2[%get3A_22, %get3A_23] : memref<1000x16xf32, #tpu.memory_space<vmem>>, vector<1000x16xf32>
    %get3A_25 = arith.constant 128 : index
    %get3A_26 = arith.constant 0 : index
    %get3A_27 = vector.load %arg5[%get3A_25, %get3A_26] : memref<144x128xf32, #tpu.memory_space<vmem>>, vector<16x128xf32>
    %dot_general3A_28 = arith.constant dense<0.000000e+00> : vector<1000x128xf32>
    %dot_general3A_29 = tpu.matmul %get3A_24, %get3A_27, %dot_general3A_28 {dimension_numbers = #tpu.dot_dimension_numbers<[1], [0], [0], [1], [0, 0, 1, 1], [], []>, transpose_lhs_hint = false} : vector<1000x16xf32>, vector<16x128xf32>, vector<1000x128xf32> -> vector<1000x128xf32>
    %add3A_30 = arith.addf %dot_general3A_21, %dot_general3A_29 : vector<1000x128xf32>
    %get3A_31 = arith.constant 0 : index
    %get3A_32 = arith.constant 0 : index
    %get3A_33 = vector.load %arg6[%get3A_31, %get3A_32] : memref<1x128xf32, #tpu.memory_space<vmem>>, vector<1x128xf32>
    %add3A_34 = vector.broadcast %get3A_33 : vector<1x128xf32> to vector<1000x128xf32>
    %add3A_35 = arith.addf %add3A_30, %add3A_34 : vector<1000x128xf32>
    %max3A = arith.constant 0.000000e+00 : f32
    %max3A_36 = vector.broadcast %max3A : f32 to vector<1000x128xf32>
    %max3A_37 = arith.maximumf %add3A_35, %max3A_36 : vector<1000x128xf32>
    %swap3A_38 = arith.constant 0 : index
    %swap3A_39 = arith.constant 0 : index
    %swap3A_40 = vector.load %arg8[%swap3A_38, %swap3A_39] : memref<1000x128xf32, #tpu.memory_space<vmem>>, vector<1000x128xf32>
    tpu.vector_store %arg8[%swap3A_38, %swap3A_39], %max3A_37 {strides = array<i32>} : memref<1000x128xf32, #tpu.memory_space<vmem>>, vector<1000x128xf32>,
    %broadcast_in_dim3A_41 = vector.shape_cast %rsqrt3A : vector<1000xf32> to vector<1000x1xf32>
    %swap3A_42 = arith.constant 0 : index
    %swap3A_43 = arith.constant 0 : index
    %swap3A_44 = vector.load %arg9[%swap3A_42, %swap3A_43] : memref<1000x1xf32, #tpu.memory_space<vmem>>, vector<1000x1xf32>
    tpu.vector_store %arg9[%swap3A_42, %swap3A_43], %broadcast_in_dim3A_41 {strides = array<i32>} : memref<1000x1xf32, #tpu.memory_space<vmem>>, vector<1000x1xf32>,
    return
  }
  func.func @transform_0(%arg0: i32) -> (i32, i32) {
    %c0_i32 = arith.constant 0 : i32
    %c0_i32_0 = arith.constant 0 : i32
    return %arg0, %c0_i32 : i32, i32
  }
  func.func @transform_1(%arg0: i32) -> (i32, i32) {
    %c0_i32 = arith.constant 0 : i32
    %c0_i32_0 = arith.constant 0 : i32
    return %arg0, %c0_i32 : i32, i32
  }
  func.func @transform_2(%arg0: i32) -> (i32, i32) {
    %c0_i32 = arith.constant 0 : i32
    %c0_i32_0 = arith.constant 0 : i32
    return %arg0, %c0_i32 : i32, i32
  }
  func.func @transform_3(%arg0: i32) -> (i32, i32) {
    %c0_i32 = arith.constant 0 : i32
    %c0_i32_0 = arith.constant 0 : i32
    %c0_i32_1 = arith.constant 0 : i32
    return %c0_i32, %c0_i32_0 : i32, i32
  }
  func.func @transform_4(%arg0: i32) -> (i32, i32) {
    %c0_i32 = arith.constant 0 : i32
    %c0_i32_0 = arith.constant 0 : i32
    %c0_i32_1 = arith.constant 0 : i32
    return %c0_i32, %c0_i32_0 : i32, i32
  }
  func.func @transform_5(%arg0: i32) -> (i32, i32) {
    %c0_i32 = arith.constant 0 : i32
    %c0_i32_0 = arith.constant 0 : i32
    %c0_i32_1 = arith.constant 0 : i32
    return %c0_i32, %c0_i32_0 : i32, i32
  }
  func.func @transform_6(%arg0: i32) -> (i32, i32) {
    %c0_i32 = arith.constant 0 : i32
    %c0_i32_0 = arith.constant 0 : i32
    return %arg0, %c0_i32 : i32, i32
  }
  func.func @transform_7(%arg0: i32) -> (i32, i32) {
    %c0_i32 = arith.constant 0 : i32
    %c0_i32_0 = arith.constant 0 : i32
    return %arg0, %c0_i32 : i32, i32
  }
  func.func @transform_8(%arg0: i32) -> (i32, i32) {
    %c0_i32 = arith.constant 0 : i32
    %c0_i32_0 = arith.constant 0 : i32
    return %arg0, %c0_i32 : i32, i32
  }
}

module attributes {stable_mosaic.version = 14 : i64} {
  func.func @_tc2_body(%arg0: i32, %arg1: memref<1x1000x128xf32, #tpu.memory_space<vmem>>, %arg2: memref<1000x128xf32, #tpu.memory_space<vmem>>, %arg3: memref<1000x128xf32, #tpu.memory_space<vmem>>, %arg4: memref<1000x1xf32, #tpu.memory_space<vmem>>, %arg5: memref<1x128xf32, #tpu.memory_space<vmem>>, %arg6: memref<256x40xf32, #tpu.memory_space<vmem>>, %arg7: memref<1x40xf32, #tpu.memory_space<vmem>>, %arg8: memref<1000x40xf32, #tpu.memory_space<vmem>>) attributes {dimension_semantics = [#tpu.dimension_semantics<arbitrary>], iteration_bounds = array<i64: 10>, scalar_prefetch = 0 : i64, scratch_operands = 0 : i64, tpu.core_type = #tpu.core_type<tc>, window_params = [{transform_indices = @transform_0, window_bounds = array<i64: 1, 1000, 128>}, {transform_indices = @transform_1, window_bounds = array<i64: 1000, 128>}, {transform_indices = @transform_2, window_bounds = array<i64: 1000, 128>}, {transform_indices = @transform_3, window_bounds = array<i64: 1000, 1>}, {pipeline_mode = #tpu.pipeline_mode<synchronous>, transform_indices = @transform_4, window_bounds = array<i64: 1, 128>}, {pipeline_mode = #tpu.pipeline_mode<synchronous>, transform_indices = @transform_5, window_bounds = array<i64: 256, 40>}, {pipeline_mode = #tpu.pipeline_mode<synchronous>, transform_indices = @transform_6, window_bounds = array<i64: 1, 40>}, {transform_indices = @transform_7, window_bounds = array<i64: 1000, 40>}]} {
    %get3A = arith.constant 0 : index
    %get3A_0 = arith.constant 0 : index
    %get3A_1 = arith.constant 0 : index
    %get3A_2 = vector.load %arg1[%get3A, %get3A_0, %get3A_1] : memref<1x1000x128xf32, #tpu.memory_space<vmem>>, vector<1x1000x128xf32>
    %get3A_3 = vector.shape_cast %get3A_2 : vector<1x1000x128xf32> to vector<1000x128xf32>
    %get3A_4 = arith.constant 0 : index
    %get3A_5 = arith.constant 0 : index
    %get3A_6 = vector.load %arg2[%get3A_4, %get3A_5] : memref<1000x128xf32, #tpu.memory_space<vmem>>, vector<1000x128xf32>
    %add3A = arith.addf %get3A_3, %get3A_6 : vector<1000x128xf32>
    %get3A_7 = arith.constant 0 : index
    %get3A_8 = arith.constant 0 : index
    %get3A_9 = vector.load %arg4[%get3A_7, %get3A_8] : memref<1000x1xf32, #tpu.memory_space<vmem>>, vector<1000x1xf32>
    %mul3A = vector.broadcast %get3A_9 : vector<1000x1xf32> to vector<1000x128xf32>
    %mul3A_10 = arith.mulf %add3A, %mul3A : vector<1000x128xf32>
    %get3A_11 = arith.constant 0 : index
    %get3A_12 = arith.constant 0 : index
    %get3A_13 = vector.load %arg5[%get3A_11, %get3A_12] : memref<1x128xf32, #tpu.memory_space<vmem>>, vector<1x128xf32>
    %add3A_14 = vector.broadcast %get3A_13 : vector<1x128xf32> to vector<1000x128xf32>
    %add3A_15 = arith.addf %mul3A_10, %add3A_14 : vector<1000x128xf32>
    %max3A = arith.constant 0.000000e+00 : f32
    %max3A_16 = vector.broadcast %max3A : f32 to vector<1000x128xf32>
    %max3A_17 = arith.maximumf %add3A_15, %max3A_16 : vector<1000x128xf32>
    %get3A_18 = arith.constant 0 : index
    %get3A_19 = arith.constant 0 : index
    %get3A_20 = vector.load %arg6[%get3A_18, %get3A_19] : memref<256x40xf32, #tpu.memory_space<vmem>>, vector<128x40xf32>
    %dot_general3A = arith.constant dense<0.000000e+00> : vector<1000x40xf32>
    %dot_general3A_21 = tpu.matmul %max3A_17, %get3A_20, %dot_general3A {dimension_numbers = #tpu.dot_dimension_numbers<[1], [0], [0], [1], [0, 0, 1, 1], [], []>, transpose_lhs_hint = false} : vector<1000x128xf32>, vector<128x40xf32>, vector<1000x40xf32> -> vector<1000x40xf32>
    %get3A_22 = arith.constant 0 : index
    %get3A_23 = arith.constant 0 : index
    %get3A_24 = vector.load %arg3[%get3A_22, %get3A_23] : memref<1000x128xf32, #tpu.memory_space<vmem>>, vector<1000x128xf32>
    %get3A_25 = arith.constant 128 : index
    %get3A_26 = arith.constant 0 : index
    %get3A_27 = vector.load %arg6[%get3A_25, %get3A_26] : memref<256x40xf32, #tpu.memory_space<vmem>>, vector<128x40xf32>
    %dot_general3A_28 = arith.constant dense<0.000000e+00> : vector<1000x40xf32>
    %dot_general3A_29 = tpu.matmul %get3A_24, %get3A_27, %dot_general3A_28 {dimension_numbers = #tpu.dot_dimension_numbers<[1], [0], [0], [1], [0, 0, 1, 1], [], []>, transpose_lhs_hint = false} : vector<1000x128xf32>, vector<128x40xf32>, vector<1000x40xf32> -> vector<1000x40xf32>
    %add3A_30 = arith.addf %dot_general3A_21, %dot_general3A_29 : vector<1000x40xf32>
    %get3A_31 = arith.constant 0 : index
    %get3A_32 = arith.constant 0 : index
    %get3A_33 = vector.load %arg7[%get3A_31, %get3A_32] : memref<1x40xf32, #tpu.memory_space<vmem>>, vector<1x40xf32>
    %add3A_34 = vector.broadcast %get3A_33 : vector<1x40xf32> to vector<1000x40xf32>
    %add3A_35 = arith.addf %add3A_30, %add3A_34 : vector<1000x40xf32>
    %swap3A = arith.constant 0 : index
    %swap3A_36 = arith.constant 0 : index
    %swap3A_37 = vector.load %arg8[%swap3A, %swap3A_36] : memref<1000x40xf32, #tpu.memory_space<vmem>>, vector<1000x40xf32>
    tpu.vector_store %arg8[%swap3A, %swap3A_36], %add3A_35 {strides = array<i32>} : memref<1000x40xf32, #tpu.memory_space<vmem>>, vector<1000x40xf32>,
    return
  }
  func.func @transform_0(%arg0: i32) -> (i32, i32, i32) {
    %jit3A = arith.constant 5 : i32
    %div3A = arith.divsi %arg0, %jit3A : i32
    %sign3A = arith.constant 0 : i32
    %sign3A_0 = arith.cmpi sgt, %arg0, %sign3A : i32
    %sign3A_1 = arith.extui %sign3A_0 : i1 to i32
    %sign3A_2 = arith.constant 0 : i32
    %sign3A_3 = arith.cmpi slt, %arg0, %sign3A_2 : i32
    %sign3A_4 = arith.extui %sign3A_3 : i1 to i32
    %sign3A_5 = arith.subi %sign3A_1, %sign3A_4 : i32
    %sign3A_6 = arith.constant 0 : i32
    %sign3A_7 = arith.cmpi sgt, %jit3A, %sign3A_6 : i32
    %sign3A_8 = arith.extui %sign3A_7 : i1 to i32
    %sign3A_9 = arith.constant 0 : i32
    %sign3A_10 = arith.cmpi slt, %jit3A, %sign3A_9 : i32
    %sign3A_11 = arith.extui %sign3A_10 : i1 to i32
    %sign3A_12 = arith.subi %sign3A_8, %sign3A_11 : i32
    %ne3A = arith.cmpi ne, %sign3A_5, %sign3A_12 : i32
    %rem3A = arith.remsi %arg0, %jit3A : i32
    %ne3A_13 = arith.constant 0 : i32
    %ne3A_14 = arith.cmpi ne, %rem3A, %ne3A_13 : i32
    %and3A = arith.andi %ne3A, %ne3A_14 : i1
    %sub3A = arith.constant 1 : i32
    %sub3A_15 = arith.subi %div3A, %sub3A : i32
    %select_n3A = arith.select %and3A, %sub3A_15, %div3A : i32
    %jit3A_16 = arith.constant 5 : i32
    %eq3A = arith.constant 0 : i32
    %eq3A_17 = arith.cmpi eq, %jit3A_16, %eq3A : i32
    %jit3A_18 = arith.constant 1 : i32
    %select_n3A_19 = arith.select %eq3A_17, %jit3A_18, %jit3A_16 : i32
    %rem3A_20 = arith.remsi %arg0, %select_n3A_19 : i32
    %ne3A_21 = arith.constant 0 : i32
    %ne3A_22 = arith.cmpi ne, %rem3A_20, %ne3A_21 : i32
    %lt3A = arith.constant 0 : i32
    %lt3A_23 = arith.cmpi slt, %rem3A_20, %lt3A : i32
    %lt3A_24 = arith.constant 0 : i32
    %lt3A_25 = arith.cmpi slt, %select_n3A_19, %lt3A_24 : i32
    %ne3A_26 = arith.xori %lt3A_23, %lt3A_25 : i1
    %and3A_27 = arith.andi %ne3A_26, %ne3A_22 : i1
    %add3A = arith.addi %rem3A_20, %select_n3A_19 : i32
    %select_n3A_28 = arith.select %and3A_27, %add3A, %rem3A_20 : i32
    %c0_i32 = arith.constant 0 : i32
    %c0_i32_29 = arith.constant 0 : i32
    return %select_n3A, %select_n3A_28, %c0_i32 : i32, i32, i32
  }
  func.func @transform_1(%arg0: i32) -> (i32, i32) {
    %c0_i32 = arith.constant 0 : i32
    %c0_i32_0 = arith.constant 0 : i32
    return %arg0, %c0_i32 : i32, i32
  }
  func.func @transform_2(%arg0: i32) -> (i32, i32) {
    %c0_i32 = arith.constant 0 : i32
    %c0_i32_0 = arith.constant 0 : i32
    return %arg0, %c0_i32 : i32, i32
  }
  func.func @transform_3(%arg0: i32) -> (i32, i32) {
    %c0_i32 = arith.constant 0 : i32
    %c0_i32_0 = arith.constant 0 : i32
    return %arg0, %c0_i32 : i32, i32
  }
  func.func @transform_4(%arg0: i32) -> (i32, i32) {
    %c0_i32 = arith.constant 0 : i32
    %c0_i32_0 = arith.constant 0 : i32
    %c0_i32_1 = arith.constant 0 : i32
    return %c0_i32, %c0_i32_0 : i32, i32
  }
  func.func @transform_5(%arg0: i32) -> (i32, i32) {
    %c0_i32 = arith.constant 0 : i32
    %c0_i32_0 = arith.constant 0 : i32
    %c0_i32_1 = arith.constant 0 : i32
    return %c0_i32, %c0_i32_0 : i32, i32
  }
  func.func @transform_6(%arg0: i32) -> (i32, i32) {
    %c0_i32 = arith.constant 0 : i32
    %c0_i32_0 = arith.constant 0 : i32
    %c0_i32_1 = arith.constant 0 : i32
    return %c0_i32, %c0_i32_0 : i32, i32
  }
  func.func @transform_7(%arg0: i32) -> (i32, i32) {
    %c0_i32 = arith.constant 0 : i32
    %c0_i32_0 = arith.constant 0 : i32
    return %arg0, %c0_i32 : i32, i32
  }
}

</mosaic_0001>

<sc_bundles>
// kernel: kernel.6.cloned.1.call-start
scs
__scs_entry_jumppad:
0x0: {  	(pc) =	sbr.rel $0x88, $3  }
0x1: {  	(tag) =	ssettag $0x0;
	lr =	simm.s32 $0x1  }
0x2: {  	[smem:$0x3F98] =	sst lr;
	_ =	strace $0xD0000000  }
0x3: {  	_ = 	snop  }
0x4: {  	_ = 	snop  }
0x5: {  	_ = 	snop  }
0x6: {  	_ = 	snop  }
0x7: {  	_ = 	snop  }
__scs_overlays_trampoline_lowered:
0x8: {  	[smem:$0x3FA7] =	sst s0  }
0x9: {  	[smem:$0x3FA8] =	sst s1  }
0xa: {  	[smem:$0x3FA9] =	sst s2  }
0xb: {  	[smem:$0x3FAA] =	sst s3  }
0xc: {  	[smem:$0x3FAB] =	sst s4  }
0xd: {  	[smem:$0x3FAC] =	sst s5  }
0xe: {  	[smem:$0x3FAD] =	sst s6  }
0xf: {  	[smem:$0x3FAE] =	sst s7  }
0x10: {  	[smem:$0x3FAF] =	sst s8  }
0x11: {  	[smem:$0x3FB0] =	sst s9;
	s0 =	simm.s32 @!p0 $0x0  }
0x12: {  	s1 =	sld [smem:$0x3F96];
	s0 =	simm.s32 @p0 $0x1  }
0x13: {  	[smem:$0x3FB1] =	sst s0;
	s0 =	simm.s32 @!p1 $0x0  }
0x14: {  	s2 =	sld [smem:$0x3F95];
	s0 =	simm.s32 @p1 $0x1  }
0x15: {  	[smem:$0x3FB2] =	sst s0;
	s0 =	simm.s32 @!p2 $0x0  }
0x16: {  	s3 =	sld [smem:$0x3FDB];
	s0 =	simm.s32 @p2 $0x1  }
0x17: {  	s4 =	simm.s32 $0x1BF5;
	[smem:$0x3FB4] =	sst s0  }
0x18: {  	s0 =	sld [smem:$0x3F97];
	_ =	swait.ge [sflag:s4], $0x0  }
0x19: {  	s7 =	sld [smem:$0x3F98]  }
0x1a: {  	s8 =	sadd.s32 $0xFFFFE003, lr  }
0x1b: {  	s9 =	sadd.s32 $0xFFFFFEF7, lr;
	s5 =	simm.s32 $0xFFFFFFFF;
	p2 =	slt.u32 s8, $0xFFFFF086  }
0x1c: {  	p1 =	slt.u32 s9, $0xF7A;
	s5 =	simm.s32 @!p2 $0x0  }
0x1d: {  	s5 =	simm.s32 @p1 $0x1;
	p0 =	seq.s32 s7, s2  }
0x1e: {  	s7 =	smul.u32 @!p0 $0xF7A, s2;
	p2 =	seq.s32 @!p0 s5, $0x0  }
0x1f: {  	s9 =	smul.u32 $0xF7A, s1;
	s8 =	simm.s32 @!p0 $0x1BF5;
	p2 =	por !p2, p0  }
0x20: {  	[sflag:s8] =	ssyncset.s32 @!p0 $0xFFFFF086;
	s6 =	sadd.s32 @!p0 s3, s7;
	s7 =	simm.s32 @!p0 $0x108  }
0x21: {  	s3 =	sadd.s32 s3, s9;
	s6 =	sadd.s32 @!p0 $0x88, s6;
	s7 =	simm.s32 @p2 $0x1082  }
0x22: {  	[simem:s7], [sflag:s8] =	dma.local @!p0 [hbm:s6], $0xF7A  }
0x23: {  	s9 =	sor.u32 $0xD0000000, s2;
	s6 =	simm.s32 $0x108;
	_ =	swait.ge @!p0 [sflag:s8], $0x0  }
0x24: {  	s3 =	sadd.s32 $0x88, s3;
	s6 =	simm.s32 @!p1 $0x1082;
	[sflag:s4] =	ssyncset.s32 $0xFFFFF086  }
0x25: {  	[simem:s6], [sflag:s4] =	dma.local [hbm:s3], $0xF7A  }
0x26: {  	[smem:$0x3F98] =	sst s1;
	(tag) =	ssettag s2;
	_ =	strace s9  }
0x27: {  	s1 =	sld [smem:$0x3FA8]  }
0x28: {  	s2 =	sld [smem:$0x3FA9]  }
0x29: {  	s4 =	sld [smem:$0x3FAB]  }
0x2a: {  	p0 =	seq.s32 s5, $0x0;
	s5 =	sld [smem:$0x3FAC]  }
0x2b: {  	s6 =	sld [smem:$0x3FAD]  }
0x2c: {  	s7 =	sld [smem:$0x3FAE]  }
0x2d: {  	s3 =	simm.s32 $0x108;
	s8 =	sld [smem:$0x3FAF]  }
0x2e: {  	s3 =	simm.s32 @!p0 $0x1082;
	s9 =	sld [smem:$0x3FB0]  }
0x2f: {  	lr =	sadd.s32 s0, s3;
	s0 =	sld [smem:$0x3FA7]  }
0x30: {  	s3 =	sld [smem:$0x3FAA]  }
0x31: {  	[smem:$0x3FB3] =	sst s10  }
0x32: {  	s10 =	sld [smem:$0x3FB1];
	_ =	sdelay $0x3  }
0x33: {  	p0 =	seq.s32 s10, $0x1;
	s10 =	sld [smem:$0x3FB3];
	_ =	sdelay $0x3  }
0x34: {  	[smem:$0x3FB3] =	sst s10  }
0x35: {  	s10 =	sld [smem:$0x3FB2];
	_ =	sdelay $0x3  }
0x36: {  	p1 =	seq.s32 s10, $0x1;
	s10 =	sld [smem:$0x3FB3];
	_ =	sdelay $0x3  }
0x37: {  	[smem:$0x3FB3] =	sst s10  }
0x38: {  	s10 =	sld [smem:$0x3FB4]  }
0x39: {  	_ = 	snop;
	(pc) =	sbr.ind lr, $3  }
0x3a: {  	_ = 	snop  }
0x3b: {  	_ = 	snop  }
0x3c: {  	p2 =	seq.s32 s10, $0x1;
	s10 =	sld [smem:$0x3FB3]  }
0x3d: {  	_ =	shalt  }
0x3e: {  	_ =	shalt  }
0x3f: {  	_ =	shalt  }
0x40: {  	_ =	shalt  }
0x41: {  	_ =	shalt  }
0x42: {  	_ =	shalt  }
0x43: {  	_ =	shalt  }
0x44: {  	_ =	shalt  }
0x45: {  	_ =	shalt  }
0x46: {  	_ =	shalt  }
0x47: {  	_ =	shalt  }
0x48: {  	_ =	shalt  }
0x49: {  	_ =	shalt  }
0x4a: {  	_ =	shalt  }
0x4b: {  	_ =	shalt  }
0x4c: {  	_ =	shalt  }
0x4d: {  	_ =	shalt  }
0x4e: {  	_ =	shalt  }
0x4f: {  	_ =	shalt  }
0x50: {  	_ =	shalt  }
0x51: {  	_ =	shalt  }
0x52: {  	_ =	shalt  }
0x53: {  	_ =	shalt  }
0x54: {  	_ =	shalt  }
0x55: {  	_ =	shalt  }
0x56: {  	_ =	shalt  }
0x57: {  	_ =	shalt  }
0x58: {  	_ =	shalt  }
0x59: {  	_ =	shalt  }
0x5a: {  	_ =	shalt  }
0x5b: {  	_ =	shalt  }
0x5c: {  	_ =	shalt  }
0x5d: {  	_ =	shalt  }
0x5e: {  	_ =	shalt  }
0x5f: {  	_ =	shalt  }
0x60: {  	_ =	shalt  }
0x61: {  	_ =	shalt  }
0x62: {  	_ =	shalt  }
0x63: {  	_ =	shalt  }
0x64: {  	_ =	shalt  }
0x65: {  	_ =	shalt  }
0x66: {  	_ =	shalt  }
0x67: {  	_ =	shalt  }
0x68: {  	_ =	shalt  }
0x69: {  	_ =	shalt  }
0x6a: {  	_ =	shalt  }
0x6b: {  	_ =	shalt  }
0x6c: {  	_ =	shalt  }
0x6d: {  	_ =	shalt  }
0x6e: {  	_ =	shalt  }
0x6f: {  	_ =	shalt  }
0x70: {  	_ =	shalt  }
0x71: {  	_ =	shalt  }
0x72: {  	_ =	shalt  }
0x73: {  	_ =	shalt  }
0x74: {  	_ =	shalt  }
0x75: {  	_ =	shalt  }
0x76: {  	_ =	shalt  }
0x77: {  	_ =	shalt  }
0x78: {  	_ =	shalt  }
0x79: {  	_ =	shalt  }
0x7a: {  	_ =	shalt  }
0x7b: {  	_ =	shalt  }
0x7c: {  	_ =	shalt  }
0x7d: {  	_ =	shalt  }
0x7e: {  	_ =	shalt  }
0x7f: {  	_ =	shalt  }
0x80: {  	_ =	shalt  }
0x81: {  	_ =	shalt  }
0x82: {  	_ =	shalt  }
0x83: {  	_ =	shalt  }
0x84: {  	_ =	shalt  }
0x85: {  	_ =	shalt  }
0x86: {  	_ =	shalt  }
0x87: {  	_ =	shalt  }
.Lfunc_end0:
.L_simem_size_0:
called_computation_lowered:
.L_overlay_start_0:
0x88: {  	s2 =	sld [smem:$0x3FD9]  }
0x89: {  	s3 =	sld [smem:$0x3FFE];
	_ =	sdelay $0x1  }
0x8a: {  	s1 =	srdreg.scid  }
0x8b: {  	s0 =	sand.u32 $0x1, s1  }
0x8c: {  	s17 =	sshll.u32 s0, $0xA;
	s2 =	sadd.s32 s3, s2  }
0x8d: {  	s2 =	sadd.s32 s2, s17  }
0x8e: {  	[smem:$0x3FBF] =	sst s2  }
0x8f: {  	_ = 	snop  }
0x90: {  	s2 =	sld [smem:$0x3FD0];
	(tm) =	ssettm $0x1  }
0x91: {  	s18 =	sld [smem:$0x3FFB];
	_ =	sdelay $0x3  }
0x92: {  	_ =	strace s18  }
0x93: {  	s3 =	sld [smem:$0x3FFC];
	_ =	sdelay $0x3  }
0x94: {  	_ =	strace s3  }
0x95: {  	s3 =	sld [smem:$0x3FFD];
	_ =	sdelay $0x3  }
0x96: {  	_ =	strace s3  }
0x97: {  	_ =	strace $0x8FFFFFFF  }
0x98: {  	s19 =	sld [smem:$0x3FDB];
	_ =	sdelay $0x1  }
0x99: {  	s4 =	simm.s32 $_scs_section_size  }
0x9a: {  	s5 =	simm.s32 $_size__tile_overlayer_lowered;
	s6 =	simm.s32 $_tile_overlayer_lowered  }
0x9b: {  	s22 =	simm.s32 $0x1BFF;
	s21 =	sshll.u32 s6, $0x1;
	s3 =	sadd.s32 s4, s19  }
0x9c: {  	s7 =	simm.s32 $0x0;
	s20 =	sshll.u32 s5, $0x1;
	s5 =	sadd.s32 s21, s3  }
0x9d: {  	[timem:s7], [sflag:s22] =	dma.local [hbm:s5], s20  }
0x9e: {  	_ =	swait.ge [sflag:s22], s20  }
0x9f: {  	s4 =	ssub.s32 $0x0, s20;
	[sflag:s22] =	ssyncset.done $0x0  }
0xa0: {  	[sflag:s22] =	ssyncadd.s32 s4;
	_ =	sdelay $0x1  }
0xa1: {  	s23 =	simm.s32 $0x1B8B  }
0xa2: {  	_ =	swait.ge [sflag:s23], $0x1  }
0xa3: {  	[sflag:s23] =	ssyncset.done $0x0  }
0xa4: {  	s25 =	simm.s32 $0x1B8E;
	s24 =	sld [smem:$0x3FFE];
	[sflag:s23] =	ssyncadd.s32 $0xFFFFFFFF  }
0xa5: {  	s26 =	simm.s32 $execute0_lowered;
	[smem:$0x3FD2] =	sst s25  }
0xa6: {  	s5 =	sshll.u32 s26, $0x1;
	_ =	strace $0x80000046;
	[dreg:$0x1] =	wrdreg $0xFFFFFFFF  }
0xa7: {  	s28 =	simm.s32 $_size_execute0_lowered;
	s3 =	sadd.s32 s3, s5;
	[dreg:$0x0] =	wrdreg $0x0  }
0xa8: {  	s5 =	sshll.u32 s28, $0x1;
	[dreg:$0x2] =	wrdreg s3  }
0xa9: {  	[dreg:$0x3] =	wrdreg s5  }
0xaa: {  	[dreg:$0x4] =	wrdreg $0xC0  }
0xab: {  	_ =	task [dreg:s7], $0x5FFFF  }
0xac: {  	[dreg:$0x1] =	wrdreg $0xFFFFFFFF  }
0xad: {  	[dreg:$0x0] =	wrdreg $0x60  }
0xae: {  	[dreg:$0x2] =	wrdreg s2  }
0xaf: {  	[dreg:$0x3] =	wrdreg s24  }
0xb0: {  	[dreg:$0x4] =	wrdreg $0x2B000  }
0xb1: {  	[dreg:$0x5] =	wrdreg $0x9  }
0xb2: {  	_ =	task.clear_ibuf [dreg:s7], $0x6FFFF;
	_ =	strace $0x90000046  }
0xb3: {  	s29 =	simm.s32 $0x9;
	_ =	strace $0x80000048  }
0xb4: {  	_ =	swait.ge [sflag:s29], $0x1  }
0xb5: {  	[sflag:s29] =	ssyncadd.s32 $0xFFFFFFFF  }
0xb6: {  	_ =	strace $0x90000048  }
0xb7: {  	_ =	sfence  }
0xb8: {  	s30 =	sld [smem:$0x0];
	_ =	sdelay $0x2  }
0xb9: {  	s31 =	sshll.u32 s1, $0xD;
	s1 =	sshrl.u32 s1, $0x2  }
0xba: {  	s3 =	sand.u32 $0x4000, s31;
	s1 =	sadd.s32 s1, s30  }
0xbb: {  	s0 =	sor.u32 s3, s0;
	s1 =	sshll.u32 s1, $0x11  }
0xbc: {  	s0 =	sor.u32 s1, s0  }
0xbd: {  	s0 =	sadd.s32 $0x8F2B, s0  }
0xbe: {  	[sflag:s0] =	ssyncadd.remote.s32 $0x1  }
0xbf: {  	_ =	sfence.sel $0xFFFF  }
0xc0: {  	[dreg:$0x0] =	wrdreg $0xFFFFFFFF;
	(pc) =	sbr.abs _section_cstart, $3  }
0xc1: {  	[dreg:$0x1] =	wrdreg $0xFFFFFFFF  }
0xc2: {  	_ =	task.clear_ibuf [dreg:s7], $0x2FFFF;
	_ =	strace $0x9FFFFFFF  }
0xc3: {  	(tm) =	ssettm $0x7FFFFFFF  }
tec
execute0_lowered:
.L_overlay_start_1:
0x0: {  	(tag) =	ssettag $0x1  }
0x1: {  	s7 =	rddreg [dreg:$0x0]  }
0x2: {  	s6 =	rddreg [dreg:$0x1]  }
0x3: {  	s2 =	rddreg [dreg:$0x2]  }
0x4: {  	s0 =	rddreg [dreg:$0x3];
	s4 =	srdreg.scid  }
0x5: {  	s1 =	stileid.u32;
	s3 =	simm.s32 $0x0;
	s13 =	simm.s32 $0x80  }
0x6: {  	s14 =	simm.s32 $0x0;
	s5 =	sand.u32 $0x1, s4;
	s8 =	smul.u32 $0x278, s1  }
0x7: {  	[smem:$0x7FF] =	sst s3;
	s4 =	sadd.s32 $0x1A00, s6;
	s10 =	sshll.u32 s1, $0x1  }
0x8: {  	s9 =	smul.u32 $0x2780, s5;
	s11 =	ssub.s32 $0x2, s5;
	s5 =	sor.u32 s5, s10  }
0x9: {  	_ =	strace $0x80000047;
	s31 =	sshrl.u32 s11, $0x1;
	s12 =	smul.u32 $0x500, s5  }
0xa: {  	s5 =	sadd.s32 $0x1C00, s6;
	s9 =	sadd.s32 s8, s9;
	s10 =	ssub.s32 s11, s31  }
0xb: {  	s11 =	simm.s32 $0x1;
	s9 =	sshrl.u32 s9, $0x3;
	s7 =	sadd.s32 s7, s12  }
0xc: {  	s12 =	simm.s32 $0x2800;
	s9 =	sadd.s32 s9, s6;
	s6 =	sadd.s32 s8, s2  }
0xd: {  	s8 =	sadd.s32 $0x1E00, s9;
	s9 =	smax.u32 s10, $0x1;
	s10 =	simm.s32 $0x2880  }
.LBB2_1:
0xe: {  	[tilespmem:s10], [sflag:$0x1] =	stream.linear.gather [hbm4b:s4+s3], $0x280, $0x38;
	[tilespmem:$0x2D78] =	vst v63  }
0xf: {  	_ =	swait.ge [sflag:s11], $0x280  }
0x10: {  	[sflag:s11] =	ssyncset.done $0x0  }
0x11: {  	[sflag:s11] =	ssyncadd.s32 $0xFFFFFD80  }
0x12: {  	[spmem:s6] =	stream.linear.scatter [tilespmem:s10], [sflag:$0x1], $0x278, $0x38;
	[tilespmem:$0x2D78] =	vst v63  }
0x13: {  	_ =	swait.ge [sflag:s11], $0x278  }
0x14: {  	[sflag:s11] =	ssyncset.done $0x0  }
0x15: {  	[sflag:s11] =	ssyncadd.s32 $0xFFFFFD88  }
0x16: {  	[tilespmem:s12], [sflag:$0x1] =	stream.linear.gather [hbm4b:s5+s3], $0x80, $0x38;
	[tilespmem:$0x2D78] =	vst v63  }
0x17: {  	_ =	swait.ge [sflag:s11], $0x80  }
0x18: {  	[sflag:s11] =	ssyncset.done $0x0  }
0x19: {  	[sflag:s11] =	ssyncadd.s32 $0xFFFFFF80  }
0x1a: {  	[tilespmem:s3], [sflag:$0x1] =	stream.linear.gather [hbm4b:s7+s3], $0x2800, $0x38;
	[tilespmem:$0x2D78] =	vst v63  }
0x1b: {  	_ =	swait.ge [sflag:s11], $0x2800  }
0x1c: {  	[sflag:s11] =	ssyncset.done $0x0  }
0x1d: {  	[sflag:s11] =	ssyncadd.s32 $0xFFFFD800  }
0x1e: {  	s15 =	simm.s32 $0x0;
	[bflag:$0x0] =	sbarrier.arrive $0xFFFF  }
0x1f: {  	[spmem:s2] =	stream.indirect.scatter.add.f32 [tilespmem:s12], [sflag:$0x1], $0x1, s15, s13, $0xb8;
	[tilespmem:$0x2D78] =	vst v63  }
0x20: {  	_ =	swait.ge [sflag:s11], $0x80  }
0x21: {  	s15 =	simm.s32 $0x200;
	[sflag:s11] =	ssyncset.done $0x0  }
.LBB2_2:
0x22: {  	s16 =	sshra.s32 s15, $0x2;
	[sflag:s11] =	ssyncadd.s32 $0xFFFFFF80;
	p0 =	sne.s32 s15, $0x9E00  }
0x23: {  	[spmem:s2] =	stream.indirect.scatter.add.f32 [tilespmem:s12], [sflag:$0x1], $0x1, s16, s13, $0xb8;
	[tilespmem:$0x2D78] =	vst v63  }
.Ltmp0:
0x24: {  	_ = 	snop;
	(pc) =	sbr.rel @p0 .LBB2_2-.Ltmp0, $4  }
0x25: {  	_ = 	snop  }
0x26: {  	s15 =	sadd.s32 $0x200, s15  }
0x27: {  	_ =	swait.ge [sflag:s11], $0x80  }
0x28: {  	[sflag:s11] =	ssyncset.done $0x0  }
0x29: {  	[sflag:s11] =	ssyncadd.s32 $0xFFFFFF80  }
0x2a: {  	[bflag:$0x0] =	sbarrier.arrive $0xFFFF  }
0x2b: {  	[tilespmem:s10], [sflag:$0x1] =	stream.linear.gather [spmem:s6], $0x278, $0x38;
	[tilespmem:$0x2D78] =	vst v63  }
0x2c: {  	s14 =	sadd.s32 $0x1, s14;
	_ =	swait.ge [sflag:s11], $0x278  }
0x2d: {  	p0 =	sne.s32 s14, s9;
	[sflag:s11] =	ssyncset.done $0x0  }
.Ltmp1:
0x2e: {  	[sflag:s11] =	ssyncadd.s32 $0xFFFFFD88;
	(pc) =	sbr.rel @p0 .LBB2_1-.Ltmp1, $4  }
0x2f: {  	[hbm4b:s8+s3] =	stream.linear.scatter [tilespmem:s10], [sflag:$0x1], $0x278, $0x38;
	[tilespmem:$0x2D78] =	vst v63  }
0x30: {  	_ =	swait.ge [sflag:s11], $0x278  }
0x31: {  	[sflag:s11] =	ssyncset.done $0x0  }
0x32: {  	[sflag:s11] =	ssyncadd.s32 $0xFFFFFD88  }
0x33: {  	_ =	sfence.sel $0x180000  }
0x34: {  	[bflag:$0x0] =	sbarrier.arrive $0xFFFF  }
0x35: {  	p0 =	sne.s32 s1, $0x0;
	_ =	strace $0x90000047  }
0x36: {  	s0 =	sadd.s32 @!p0 $0x100000, s0;
	[bflag:$0x2] =	sbarrier.arrive $0xFFFF  }
0x37: {  	[sflag:s0] =	ssyncadd.tile.s32 @!p0 $0x1;
	_ =	shalt  }
.Lfunc_end2:
_tile_overlayer_lowered:
.L_overlay_start_2:
0x38: {  	(tag) =	ssettag $0x2  }
0x39: {  	s0 =	rddreg [dreg:$0x0];
	s2 =	stileid.u32  }
0x3a: {  	s1 =	rddreg [dreg:$0x1];
	p0 =	sne.s32 s2, $0x0  }
0x3b: {  	s3 =	rddreg [dreg:$0x2];
	[bflag:$0x3] =	sbarrier.arrive $0xFFFF;
	s2 =	simm.s32 @!p0 $0x1C01  }
0x3c: {  	[timem:s3], [sflag:s2] =	dma.local @!p0 [hbm:s0], s1  }
0x3d: {  	s0 =	simm.s32 @!p0 $0x1  }
0x3e: {  	_ =	swait.ge @!p0 [sflag:s0], s1  }
0x3f: {  	s1 =	ssub.s32 @!p0 $0x0, s1;
	[sflag:s0] =	ssyncset.done @!p0 $0x0  }
0x40: {  	[sflag:s0] =	ssyncadd.s32 @!p0 s1  }
0x41: {  	[bflag:$0x3] =	sbarrier.arrive $0xFFFF  }
0x42: {  	_ =	shalt  }

// kernel: kernel.9.cloned.1.call-start
scs
__scs_entry_jumppad:
0x0: {  	(pc) =	sbr.rel $0x88, $3  }
0x1: {  	(tag) =	ssettag $0x0;
	lr =	simm.s32 $0x1  }
0x2: {  	[smem:$0x3F98] =	sst lr;
	_ =	strace $0xD0000000  }
0x3: {  	_ = 	snop  }
0x4: {  	_ = 	snop  }
0x5: {  	_ = 	snop  }
0x6: {  	_ = 	snop  }
0x7: {  	_ = 	snop  }
__scs_overlays_trampoline_lowered:
0x8: {  	[smem:$0x3FA7] =	sst s0  }
0x9: {  	[smem:$0x3FA8] =	sst s1  }
0xa: {  	[smem:$0x3FA9] =	sst s2  }
0xb: {  	[smem:$0x3FAA] =	sst s3  }
0xc: {  	[smem:$0x3FAB] =	sst s4  }
0xd: {  	[smem:$0x3FAC] =	sst s5  }
0xe: {  	[smem:$0x3FAD] =	sst s6  }
0xf: {  	[smem:$0x3FAE] =	sst s7  }
0x10: {  	[smem:$0x3FAF] =	sst s8  }
0x11: {  	[smem:$0x3FB0] =	sst s9;
	s0 =	simm.s32 @!p0 $0x0  }
0x12: {  	s1 =	sld [smem:$0x3F96];
	s0 =	simm.s32 @p0 $0x1  }
0x13: {  	[smem:$0x3FB1] =	sst s0;
	s0 =	simm.s32 @!p1 $0x0  }
0x14: {  	s2 =	sld [smem:$0x3F95];
	s0 =	simm.s32 @p1 $0x1  }
0x15: {  	[smem:$0x3FB2] =	sst s0;
	s0 =	simm.s32 @!p2 $0x0  }
0x16: {  	s3 =	sld [smem:$0x3FDB];
	s0 =	simm.s32 @p2 $0x1  }
0x17: {  	s4 =	simm.s32 $0x1BF5;
	[smem:$0x3FB4] =	sst s0  }
0x18: {  	s0 =	sld [smem:$0x3F97];
	_ =	swait.ge [sflag:s4], $0x0  }
0x19: {  	s7 =	sld [smem:$0x3F98]  }
0x1a: {  	s8 =	sadd.s32 $0xFFFFE003, lr  }
0x1b: {  	s9 =	sadd.s32 $0xFFFFFEF7, lr;
	s5 =	simm.s32 $0xFFFFFFFF;
	p2 =	slt.u32 s8, $0xFFFFF086  }
0x1c: {  	p1 =	slt.u32 s9, $0xF7A;
	s5 =	simm.s32 @!p2 $0x0  }
0x1d: {  	s5 =	simm.s32 @p1 $0x1;
	p0 =	seq.s32 s7, s2  }
0x1e: {  	s7 =	smul.u32 @!p0 $0xF7A, s2;
	p2 =	seq.s32 @!p0 s5, $0x0  }
0x1f: {  	s9 =	smul.u32 $0xF7A, s1;
	s8 =	simm.s32 @!p0 $0x1BF5;
	p2 =	por !p2, p0  }
0x20: {  	[sflag:s8] =	ssyncset.s32 @!p0 $0xFFFFF086;
	s6 =	sadd.s32 @!p0 s3, s7;
	s7 =	simm.s32 @!p0 $0x108  }
0x21: {  	s3 =	sadd.s32 s3, s9;
	s6 =	sadd.s32 @!p0 $0x88, s6;
	s7 =	simm.s32 @p2 $0x1082  }
0x22: {  	[simem:s7], [sflag:s8] =	dma.local @!p0 [hbm:s6], $0xF7A  }
0x23: {  	s9 =	sor.u32 $0xD0000000, s2;
	s6 =	simm.s32 $0x108;
	_ =	swait.ge @!p0 [sflag:s8], $0x0  }
0x24: {  	s3 =	sadd.s32 $0x88, s3;
	s6 =	simm.s32 @!p1 $0x1082;
	[sflag:s4] =	ssyncset.s32 $0xFFFFF086  }
0x25: {  	[simem:s6], [sflag:s4] =	dma.local [hbm:s3], $0xF7A  }
0x26: {  	[smem:$0x3F98] =	sst s1;
	(tag) =	ssettag s2;
	_ =	strace s9  }
0x27: {  	s1 =	sld [smem:$0x3FA8]  }
0x28: {  	s2 =	sld [smem:$0x3FA9]  }
0x29: {  	s4 =	sld [smem:$0x3FAB]  }
0x2a: {  	p0 =	seq.s32 s5, $0x0;
	s5 =	sld [smem:$0x3FAC]  }
0x2b: {  	s6 =	sld [smem:$0x3FAD]  }
0x2c: {  	s7 =	sld [smem:$0x3FAE]  }
0x2d: {  	s3 =	simm.s32 $0x108;
	s8 =	sld [smem:$0x3FAF]  }
0x2e: {  	s3 =	simm.s32 @!p0 $0x1082;
	s9 =	sld [smem:$0x3FB0]  }
0x2f: {  	lr =	sadd.s32 s0, s3;
	s0 =	sld [smem:$0x3FA7]  }
0x30: {  	s3 =	sld [smem:$0x3FAA]  }
0x31: {  	[smem:$0x3FB3] =	sst s10  }
0x32: {  	s10 =	sld [smem:$0x3FB1];
	_ =	sdelay $0x3  }
0x33: {  	p0 =	seq.s32 s10, $0x1;
	s10 =	sld [smem:$0x3FB3];
	_ =	sdelay $0x3  }
0x34: {  	[smem:$0x3FB3] =	sst s10  }
0x35: {  	s10 =	sld [smem:$0x3FB2];
	_ =	sdelay $0x3  }
0x36: {  	p1 =	seq.s32 s10, $0x1;
	s10 =	sld [smem:$0x3FB3];
	_ =	sdelay $0x3  }
0x37: {  	[smem:$0x3FB3] =	sst s10  }
0x38: {  	s10 =	sld [smem:$0x3FB4]  }
0x39: {  	_ = 	snop;
	(pc) =	sbr.ind lr, $3  }
0x3a: {  	_ = 	snop  }
0x3b: {  	_ = 	snop  }
0x3c: {  	p2 =	seq.s32 s10, $0x1;
	s10 =	sld [smem:$0x3FB3]  }
0x3d: {  	_ =	shalt  }
0x3e: {  	_ =	shalt  }
0x3f: {  	_ =	shalt  }
0x40: {  	_ =	shalt  }
0x41: {  	_ =	shalt  }
0x42: {  	_ =	shalt  }
0x43: {  	_ =	shalt  }
0x44: {  	_ =	shalt  }
0x45: {  	_ =	shalt  }
0x46: {  	_ =	shalt  }
0x47: {  	_ =	shalt  }
0x48: {  	_ =	shalt  }
0x49: {  	_ =	shalt  }
0x4a: {  	_ =	shalt  }
0x4b: {  	_ =	shalt  }
0x4c: {  	_ =	shalt  }
0x4d: {  	_ =	shalt  }
0x4e: {  	_ =	shalt  }
0x4f: {  	_ =	shalt  }
0x50: {  	_ =	shalt  }
0x51: {  	_ =	shalt  }
0x52: {  	_ =	shalt  }
0x53: {  	_ =	shalt  }
0x54: {  	_ =	shalt  }
0x55: {  	_ =	shalt  }
0x56: {  	_ =	shalt  }
0x57: {  	_ =	shalt  }
0x58: {  	_ =	shalt  }
0x59: {  	_ =	shalt  }
0x5a: {  	_ =	shalt  }
0x5b: {  	_ =	shalt  }
0x5c: {  	_ =	shalt  }
0x5d: {  	_ =	shalt  }
0x5e: {  	_ =	shalt  }
0x5f: {  	_ =	shalt  }
0x60: {  	_ =	shalt  }
0x61: {  	_ =	shalt  }
0x62: {  	_ =	shalt  }
0x63: {  	_ =	shalt  }
0x64: {  	_ =	shalt  }
0x65: {  	_ =	shalt  }
0x66: {  	_ =	shalt  }
0x67: {  	_ =	shalt  }
0x68: {  	_ =	shalt  }
0x69: {  	_ =	shalt  }
0x6a: {  	_ =	shalt  }
0x6b: {  	_ =	shalt  }
0x6c: {  	_ =	shalt  }
0x6d: {  	_ =	shalt  }
0x6e: {  	_ =	shalt  }
0x6f: {  	_ =	shalt  }
0x70: {  	_ =	shalt  }
0x71: {  	_ =	shalt  }
0x72: {  	_ =	shalt  }
0x73: {  	_ =	shalt  }
0x74: {  	_ =	shalt  }
0x75: {  	_ =	shalt  }
0x76: {  	_ =	shalt  }
0x77: {  	_ =	shalt  }
0x78: {  	_ =	shalt  }
0x79: {  	_ =	shalt  }
0x7a: {  	_ =	shalt  }
0x7b: {  	_ =	shalt  }
0x7c: {  	_ =	shalt  }
0x7d: {  	_ =	shalt  }
0x7e: {  	_ =	shalt  }
0x7f: {  	_ =	shalt  }
0x80: {  	_ =	shalt  }
0x81: {  	_ =	shalt  }
0x82: {  	_ =	shalt  }
0x83: {  	_ =	shalt  }
0x84: {  	_ =	shalt  }
0x85: {  	_ =	shalt  }
0x86: {  	_ =	shalt  }
0x87: {  	_ =	shalt  }
.Lfunc_end0:
.L_simem_size_0:
called_computation.1_lowered:
.L_overlay_start_0:
0x88: {  	s2 =	sld [smem:$0x3FD9]  }
0x89: {  	s3 =	sld [smem:$0x3FFE];
	_ =	sdelay $0x1  }
0x8a: {  	s1 =	srdreg.scid  }
0x8b: {  	s0 =	sand.u32 $0x1, s1  }
0x8c: {  	s17 =	sshll.u32 s0, $0xA;
	s2 =	sadd.s32 s3, s2  }
0x8d: {  	s2 =	sadd.s32 s2, s17  }
0x8e: {  	[smem:$0x3FBF] =	sst s2  }
0x8f: {  	_ = 	snop  }
0x90: {  	s2 =	sld [smem:$0x3FD0];
	(tm) =	ssettm $0x1  }
0x91: {  	s18 =	sld [smem:$0x3FFB];
	_ =	sdelay $0x3  }
0x92: {  	_ =	strace s18  }
0x93: {  	s3 =	sld [smem:$0x3FFC];
	_ =	sdelay $0x3  }
0x94: {  	_ =	strace s3  }
0x95: {  	s3 =	sld [smem:$0x3FFD];
	_ =	sdelay $0x3  }
0x96: {  	_ =	strace s3  }
0x97: {  	_ =	strace $0x8FFFFFFF  }
0x98: {  	s19 =	sld [smem:$0x3FDB];
	_ =	sdelay $0x1  }
0x99: {  	s4 =	simm.s32 $_scs_section_size  }
0x9a: {  	s5 =	simm.s32 $_size__tile_overlayer_lowered;
	s6 =	simm.s32 $_tile_overlayer_lowered  }
0x9b: {  	s22 =	simm.s32 $0x1BFF;
	s21 =	sshll.u32 s6, $0x1;
	s3 =	sadd.s32 s4, s19  }
0x9c: {  	s7 =	simm.s32 $0x0;
	s20 =	sshll.u32 s5, $0x1;
	s5 =	sadd.s32 s21, s3  }
0x9d: {  	[timem:s7], [sflag:s22] =	dma.local [hbm:s5], s20  }
0x9e: {  	_ =	swait.ge [sflag:s22], s20  }
0x9f: {  	s4 =	ssub.s32 $0x0, s20;
	[sflag:s22] =	ssyncset.done $0x0  }
0xa0: {  	[sflag:s22] =	ssyncadd.s32 s4;
	_ =	sdelay $0x1  }
0xa1: {  	s23 =	simm.s32 $0x1B8B  }
0xa2: {  	_ =	swait.ge [sflag:s23], $0x1  }
0xa3: {  	[sflag:s23] =	ssyncset.done $0x0  }
0xa4: {  	s25 =	simm.s32 $0x1B8E;
	s24 =	sld [smem:$0x3FFE];
	[sflag:s23] =	ssyncadd.s32 $0xFFFFFFFF  }
0xa5: {  	s26 =	simm.s32 $execute0_lowered;
	[smem:$0x3FD2] =	sst s25  }
0xa6: {  	s5 =	sshll.u32 s26, $0x1;
	_ =	strace $0x80000049;
	[dreg:$0x1] =	wrdreg $0xFFFFFFFF  }
0xa7: {  	s28 =	simm.s32 $_size_execute0_lowered;
	s3 =	sadd.s32 s3, s5;
	[dreg:$0x0] =	wrdreg $0x0  }
0xa8: {  	s5 =	sshll.u32 s28, $0x1;
	[dreg:$0x2] =	wrdreg s3  }
0xa9: {  	[dreg:$0x3] =	wrdreg s5  }
0xaa: {  	[dreg:$0x4] =	wrdreg $0xC0  }
0xab: {  	_ =	task [dreg:s7], $0x5FFFF  }
0xac: {  	[dreg:$0x1] =	wrdreg $0xFFFFFFFF  }
0xad: {  	[dreg:$0x0] =	wrdreg $0x60  }
0xae: {  	[dreg:$0x2] =	wrdreg s24  }
0xaf: {  	[dreg:$0x3] =	wrdreg s2  }
0xb0: {  	[dreg:$0x4] =	wrdreg $0x22000  }
0xb1: {  	[dreg:$0x5] =	wrdreg $0x15E000  }
0xb2: {  	[dreg:$0x6] =	wrdreg $0x9  }
0xb3: {  	_ =	task.clear_ibuf [dreg:s7], $0x7FFFF;
	_ =	strace $0x90000049  }
0xb4: {  	s29 =	simm.s32 $0x9;
	_ =	strace $0x8000004B  }
0xb5: {  	_ =	swait.ge [sflag:s29], $0x1  }
0xb6: {  	[sflag:s29] =	ssyncadd.s32 $0xFFFFFFFF  }
0xb7: {  	_ =	strace $0x9000004B  }
0xb8: {  	_ =	sfence  }
0xb9: {  	s30 =	sld [smem:$0x0];
	_ =	sdelay $0x2  }
0xba: {  	s31 =	sshll.u32 s1, $0xD;
	s1 =	sshrl.u32 s1, $0x2  }
0xbb: {  	s3 =	sand.u32 $0x4000, s31;
	s1 =	sadd.s32 s1, s30  }
0xbc: {  	s0 =	sor.u32 s3, s0;
	s1 =	sshll.u32 s1, $0x11  }
0xbd: {  	s0 =	sor.u32 s1, s0  }
0xbe: {  	s0 =	sadd.s32 $0x8F2B, s0  }
0xbf: {  	[sflag:s0] =	ssyncadd.remote.s32 $0x1  }
0xc0: {  	_ =	sfence.sel $0xFFFF  }
0xc1: {  	[dreg:$0x0] =	wrdreg $0xFFFFFFFF;
	(pc) =	sbr.abs _section_cstart, $3  }
0xc2: {  	[dreg:$0x1] =	wrdreg $0xFFFFFFFF  }
0xc3: {  	_ =	task.clear_ibuf [dreg:s7], $0x2FFFF;
	_ =	strace $0x9FFFFFFF  }
0xc4: {  	(tm) =	ssettm $0x7FFFFFFF  }
0xc5: {  	_ =	shalt  }
tec
execute0_lowered:
.L_overlay_start_1:
0x0: {  	(tag) =	ssettag $0x1  }
0x1: {  	s0 =	rddreg [dreg:$0x0]  }
0x2: {  	s1 =	rddreg [dreg:$0x1]  }
0x3: {  	s3 =	rddreg [dreg:$0x2];
	s13 =	stileid.u32  }
0x4: {  	s2 =	srdreg.scid;
	s4 =	rddreg [dreg:$0x3];
	s5 =	simm.s32 $0x0  }
0x5: {  	s28 =	simm.s32 $0x200;
	s29 =	simm.s32 $0x2;
	s6 =	smul.u32 $0x2780, s13  }
0x6: {  	s30 =	simm.s32 $0x1200;
	s31 =	simm.s32 $0x5;
	s9 =	smul.u32 $0xA000, s13  }
0x7: {  	s2 =	sand.u32 $0x1, s2;
	[smem:$0x7FF] =	sst s5;
	s11 =	smul.u32 $0x4F000, s13  }
0x8: {  	s7 =	sadd.s32 $0x51A00, s0;
	s12 =	smul.u32 $0x28000, s13;
	s21 =	sshll.u32 s13, $0x6  }
0x9: {  	s8 =	smul.u32 $0xA0000, s2;
	_ =	strace $0x8000004A;
	s19 =	ssub.s32 $0x2, s2  }
0xa: {  	s2 =	smul.u32 $0x140000, s2;
	s10 =	sadd.s32 s6, s0;
	s6 =	sadd.s32 $0x29A00, s0  }
0xb: {  	s20 =	sshrl.u32 s19, $0x1;
	s11 =	sshrl.u32 s11, $0x2;
	s22 =	sshrl.u32 s12, $0x2  }
0xc: {  	s8 =	sadd.s32 s9, s8;
	s9 =	ssub.s32 s19, s20;
	s14 =	sadd.s32 s11, s3  }
0xd: {  	s10 =	sadd.s32 $0x1A00, s10;
	s12 =	sadd.s32 s22, s4;
	s19 =	simm.s32 $0x7  }
0xe: {  	s8 =	sshrl.u32 s8, $0x3;
	[dreg:$0x5] =	wrdreg s10;
	s10 =	sor.u32 $0x1C07, s21  }
0xf: {  	s24 =	sadd.s32 $0x4000, s12;
	s15 =	sadd.s32 $0x8000, s12;
	s26 =	smax.u32 s9, $0x1  }
0x10: {  	s18 =	sshrl.u32 s14, $0x3;
	s20 =	sshrl.u32 s12, $0x3;
	s9 =	simm.s32 $0x4  }
0x11: {  	s14 =	simm.s32 $0x180;
	s12 =	simm.s32 $0x0;
	s0 =	sadd.s32 s8, s0  }
0x12: {  	s8 =	smul.u32 $0x14000, s13;
	[dreg:$0xb] =	wrdreg s26;
	s21 =	sshrl.u32 s24, $0x3  }
0x13: {  	s22 =	sshrl.u32 s15, $0x3;
	s24 =	simm.s32 $0x80;
	s26 =	simm.s32 $0x20  }
0x14: {  	s0 =	sadd.s32 $0xA1A00, s0;
	s23 =	sshrl.u32 s8, $0x3;
	s11 =	sadd.s32 s8, s2  }
.Ltmp0:
0x15: {  	[dreg:$0xa] =	wrdreg s0;
	s16 =	sadd.s32 s6, s23;
	(pc) =	sbr.rel .LBB2_1-.Ltmp0, $4  }
0x16: {  	s25 =	sshrl.u32 s11, $0x3;
	[dreg:$0x6] =	wrdreg s16;
	s16 =	sadd.s32 $0x10, s16  }
0x17: {  	s2 =	simm.s32 $0x3;
	s13 =	sadd.s32 s7, s25;
	[dreg:$0x8] =	wrdreg s16  }
0x18: {  	s0 =	simm.s32 $0x6;
	[dreg:$0x7] =	wrdreg s13;
	s13 =	sadd.s32 $0x10, s13  }
0x19: {  	s23 =	simm.s32 $0x100;
	s25 =	simm.s32 $0x1;
	[dreg:$0x9] =	wrdreg s13  }
.LBB2_4:
0x1a: {  	_ =	swait.ge [sflag:s0], $0x1000  }
0x1b: {  	[sflag:s0] =	ssyncset.done $0x0  }
0x1c: {  	[sflag:s0] =	ssyncadd.s32 $0xFFFFF000  }
0x1d: {  	_ =	swait.ge [sflag:s9], $0x80  }
0x1e: {  	[sflag:s9] =	ssyncset.done $0x0  }
0x1f: {  	[sflag:s9] =	ssyncadd.s32 $0xFFFFFF80  }
0x20: {  	[spmem:s4] =	stream.indirect.scatter.add.f32 [tilespmem:s30], [sflag:$0x7], $0x80, s14, s26, $0xb8;
	[tilespmem:$0x1FE00] =	vst v63  }
0x21: {  	_ =	swait.ge [sflag:s19], $0x1000  }
0x22: {  	[sflag:s19] =	ssyncset.done $0x0  }
0x23: {  	[sflag:s19] =	ssyncadd.s32 $0xFFFFF000  }
0x24: {  	[bflag:$0x0] =	sbarrier.arrive $0xFFFF  }
0x25: {  	s13 =	rddreg [dreg:$0xa]  }
0x26: {  	[hbm:s13], [sflag:s10] =	dma.local [spmem:s20], $0x1400  }
0x27: {  	_ =	swait.ge [sflag:s19], $0x1400  }
0x28: {  	s12 =	sadd.s32 $0x1, s12;
	s17 =	rddreg [dreg:$0xb]  }
0x29: {  	p0 =	sne.s32 s12, s17  }
.Ltmp1:
0x2a: {  	_ = 	snop;
	(pc) =	sbr.rel @!p0 .LBB2_5-.Ltmp1, $3  }
0x2b: {  	_ =	sdelay $0x1  }
0x2c: {  	[sflag:s19] =	ssyncset.done $0x0  }
0x2d: {  	[sflag:s19] =	ssyncadd.s32 $0xFFFFEC00  }
.LBB2_1:
0x2e: {  	s13 =	rddreg [dreg:$0x5]  }
0x2f: {  	[spmem:s18], [sflag:s10] =	dma.local [hbm:s13], $0x2780  }
0x30: {  	_ =	swait.ge [sflag:s19], $0x2780  }
0x31: {  	[sflag:s19] =	ssyncset.done $0x0  }
0x32: {  	[sflag:s19] =	ssyncadd.s32 $0xFFFFD880  }
0x33: {  	[spmem:s20], [sflag:s10] =	dma.local [hbm:s1], $0x800  }
0x34: {  	_ =	swait.ge [sflag:s19], $0x800  }
0x35: {  	[sflag:s19] =	ssyncset.done $0x0  }
0x36: {  	[sflag:s19] =	ssyncadd.s32 $0xFFFFF800  }
0x37: {  	[spmem:s21], [sflag:s10] =	dma.local [hbm:s1], $0x800  }
0x38: {  	_ =	swait.ge [sflag:s19], $0x800  }
0x39: {  	[sflag:s19] =	ssyncset.done $0x0  }
0x3a: {  	[sflag:s19] =	ssyncadd.s32 $0xFFFFF800  }
0x3b: {  	[spmem:s22], [sflag:s10] =	dma.local [hbm:s1], $0x400  }
0x3c: {  	_ =	swait.ge [sflag:s19], $0x400  }
0x3d: {  	[sflag:s19] =	ssyncset.done $0x0  }
0x3e: {  	[sflag:s19] =	ssyncadd.s32 $0xFFFFFC00  }
0x3f: {  	[bflag:$0x0] =	sbarrier.arrive $0xFFFF  }
0x40: {  	s17 =	rddreg [dreg:$0x6]  }
0x41: {  	[tilespmem:s5], [sflag:$0x1] =	stream.linear.gather [hbm4b:s17+s5], $0x80, $0x38;
	[tilespmem:$0x1FE00] =	vst v63  }
0x42: {  	s15 =	rddreg [dreg:$0x7]  }
0x43: {  	[tilespmem:s23], [sflag:$0x3] =	stream.linear.gather [hbm4b:s15+s5], $0x80, $0x38;
	[tilespmem:$0x1FE00] =	vst v63  }
0x44: {  	s16 =	rddreg [dreg:$0x8]  }
0x45: {  	[tilespmem:s24], [sflag:$0x2] =	stream.linear.gather [hbm4b:s16+s5], $0x80, $0x38;
	[tilespmem:$0x1FE00] =	vst v63  }
0x46: {  	s17 =	rddreg [dreg:$0x9];
	s15 =	simm.s32 $0x180  }
0x47: {  	[tilespmem:s14], [sflag:$0x4] =	stream.linear.gather [hbm4b:s17+s5], $0x80, $0x38;
	[tilespmem:$0x1FE00] =	vst v63  }
.LBB2_2:
0x48: {  	_ =	swait.ge [sflag:s25], $0x80  }
0x49: {  	[sflag:s25] =	ssyncset.done $0x0  }
0x4a: {  	[sflag:s25] =	ssyncadd.s32 $0xFFFFFF80  }
0x4b: {  	[tilespmem:s28], [sflag:$0x5] =	stream.indirect.gather [spmem:s3], $0x80, s5, s26, $0xb8;
	[tilespmem:$0x1FE00] =	vst v63  }
0x4c: {  	_ =	swait.ge [sflag:s29], $0x80  }
0x4d: {  	[sflag:s29] =	ssyncset.done $0x0  }
0x4e: {  	[sflag:s29] =	ssyncadd.s32 $0xFFFFFF80  }
0x4f: {  	[tilespmem:s30], [sflag:$0x6] =	stream.indirect.gather [spmem:s3], $0x80, s24, s26, $0xb8;
	[tilespmem:$0x1FE00] =	vst v63  }
0x50: {  	_ =	swait.ge [sflag:s31], $0x1000  }
0x51: {  	[sflag:s31] =	ssyncset.done $0x0  }
0x52: {  	[sflag:s31] =	ssyncadd.s32 $0xFFFFF000  }
0x53: {  	_ =	swait.ge [sflag:s2], $0x80  }
0x54: {  	p0 =	seq.s32 s15, $0x14080;
	[sflag:s2] =	ssyncset.done $0x0  }
.Ltmp2:
0x55: {  	[sflag:s2] =	ssyncadd.s32 $0xFFFFFF80;
	(pc) =	sbr.rel @p0 .LBB2_4-.Ltmp2, $4  }
0x56: {  	[spmem:s4] =	stream.indirect.scatter.add.f32 [tilespmem:s28], [sflag:$0x7], $0x80, s23, s26, $0xb8;
	[tilespmem:$0x1FE00] =	vst v63  }
0x57: {  	_ =	swait.ge [sflag:s19], $0x1000  }
0x58: {  	[sflag:s19] =	ssyncset.done $0x0  }
0x59: {  	[sflag:s19] =	ssyncadd.s32 $0xFFFFF000  }
0x5a: {  	s16 =	sadd.s32 $0xFFFFFF80, s15  }
0x5b: {  	s17 =	sand.u32 $0x3FC00, s16  }
0x5c: {  	s16 =	sand.u32 $0x300, s16;
	s13 =	sadd.s32 s8, s17  }
0x5d: {  	s13 =	sor.u32 s16, s13  }
0x5e: {  	s13 =	sshrl.u32 s13, $0x3  }
0x5f: {  	s17 =	sadd.s32 s11, s17;
	s13 =	sadd.s32 s6, s13  }
0x60: {  	[tilespmem:s5], [sflag:$0x1] =	stream.linear.gather [hbm4b:s13+s5], $0x80, $0x38;
	[tilespmem:$0x1FE00] =	vst v63  }
0x61: {  	s13 =	sor.u32 s16, s17  }
0x62: {  	s13 =	sshrl.u32 s13, $0x3  }
0x63: {  	s13 =	sadd.s32 s7, s13  }
0x64: {  	[tilespmem:s23], [sflag:$0x3] =	stream.linear.gather [hbm4b:s13+s5], $0x80, $0x38;
	[tilespmem:$0x1FE00] =	vst v63  }
0x65: {  	_ =	swait.ge [sflag:s0], $0x1000  }
0x66: {  	[sflag:s0] =	ssyncset.done $0x0  }
0x67: {  	[sflag:s0] =	ssyncadd.s32 $0xFFFFF000  }
0x68: {  	_ =	swait.ge [sflag:s9], $0x80  }
0x69: {  	s17 =	sand.u32 $0x380, s15;
	s13 =	sand.u32 $0x3FC00, s15;
	[sflag:s9] =	ssyncset.done $0x0  }
0x6a: {  	s16 =	sadd.s32 s8, s13;
	s13 =	sadd.s32 s11, s13;
	[sflag:s9] =	ssyncadd.s32 $0xFFFFFF80  }
0x6b: {  	[spmem:s4] =	stream.indirect.scatter.add.f32 [tilespmem:s30], [sflag:$0x7], $0x80, s14, s26, $0xb8;
	[tilespmem:$0x1FE00] =	vst v63  }
0x6c: {  	s16 =	sor.u32 s17, s16;
	s13 =	sor.u32 s17, s13;
	_ =	swait.ge [sflag:s19], $0x1000  }
.Ltmp3:
0x6d: {  	s16 =	sshrl.u32 s16, $0x3;
	[sflag:s19] =	ssyncset.done $0x0;
	(pc) =	sbr.rel .LBB2_2-.Ltmp3, $4  }
0x6e: {  	s13 =	sshrl.u32 s13, $0x3;
	s16 =	sadd.s32 s6, s16;
	[sflag:s19] =	ssyncadd.s32 $0xFFFFF000  }
0x6f: {  	[tilespmem:s24], [sflag:$0x2] =	stream.linear.gather [hbm4b:s16+s5], $0x80, $0x38;
	[tilespmem:$0x1FE00] =	vst v63  }
0x70: {  	s15 =	sadd.s32 $0x100, s15;
	s13 =	sadd.s32 s7, s13  }
0x71: {  	[tilespmem:s14], [sflag:$0x4] =	stream.linear.gather [hbm4b:s13+s5], $0x80, $0x38;
	[tilespmem:$0x1FE00] =	vst v63  }
.LBB2_5:
0x72: {  	_ =	sfence.sel $0x180000  }
0x73: {  	[bflag:$0x0] =	sbarrier.arrive $0xFFFF  }
0x74: {  	_ =	strace $0x9000004A  }
0x75: {  	s0 =	stileid.u32;
	[bflag:$0x2] =	sbarrier.arrive $0xFFFF  }
0x76: {  	p0 =	sne.s32 s0, $0x0;
	s0 =	rddreg [dreg:$0x4]  }
0x77: {  	s0 =	sadd.s32 @!p0 $0x100000, s0  }
0x78: {  	[sflag:s0] =	ssyncadd.tile.s32 @!p0 $0x1;
	_ =	shalt  }
.Lfunc_end2:
_tile_overlayer_lowered:
.L_overlay_start_2:
0x79: {  	(tag) =	ssettag $0x2  }
0x7a: {  	s0 =	rddreg [dreg:$0x0];
	s2 =	stileid.u32  }
0x7b: {  	s1 =	rddreg [dreg:$0x1];
	p0 =	sne.s32 s2, $0x0  }
0x7c: {  	s3 =	rddreg [dreg:$0x2];
	[bflag:$0x3] =	sbarrier.arrive $0xFFFF;
	s2 =	simm.s32 @!p0 $0x1C07  }
0x7d: {  	[timem:s3], [sflag:s2] =	dma.local @!p0 [hbm:s0], s1  }
0x7e: {  	s0 =	simm.s32 @!p0 $0x7  }
0x7f: {  	_ =	swait.ge @!p0 [sflag:s0], s1  }
0x80: {  	s1 =	ssub.s32 @!p0 $0x0, s1;
	[sflag:s0] =	ssyncset.done @!p0 $0x0  }
0x81: {  	[sflag:s0] =	ssyncadd.s32 @!p0 s1  }
0x82: {  	[bflag:$0x3] =	sbarrier.arrive $0xFFFF  }
0x83: {  	_ =	shalt  }

</sc_bundles>
